<compile_context>
chip_gen: v7x
topology: tpu7x:2x2x1
jax: 0.10.2.dev20260603
libtpu: 0.0.44.dev20260713+nightly
codegen_flags: <defaults>
</compile_context>

<pallas_src>
import jax
import jax.numpy as jnp
from jax import lax
from jax.experimental import pallas as pl
from jax.experimental.pallas import tpu as pltpu
from jax.experimental.pallas import tpu_sc as plsc

ROWS = 16384
COLS = 2048
LANES = 16
NUM_WORKERS = 32
ROWS_PER_W = ROWS // NUM_WORKERS
BLK_I = 16
BLK_O = 8
STEPS = ROWS_PER_W // BLK_I
NPAIR = STEPS // 2
CHUNKS = COLS // LANES


def _permute_body(x_hbm, perm_hbm, out_hbm, perm_v,
                  in_a, in_b, out_a, out_b,
                  isem_a, isem_b, osem_a, osem_b, psem):
    core = lax.axis_index("c")
    sub = lax.axis_index("s")
    wid = sub * 2 + core
    row0 = wid * ROWS_PER_W

    in_bufs = ((in_a, isem_a), (in_b, isem_b))
    out_bufs = ((out_a, osem_a), (out_b, osem_b))

    perm_cp = pltpu.make_async_copy(perm_hbm, perm_v, psem)
    perm_cp.start()
    for b in range(2):
        pltpu.make_async_copy(
            x_hbm.at[pl.ds(row0 + b * BLK_I, BLK_I)], in_bufs[b][0],
            in_bufs[b][1]).start()
    perm_cp.wait()

    row_ids = [jnp.full((LANES,), r, dtype=jnp.int32) for r in range(BLK_I)]

    def pair(p, carry):
        for b in range(2):
            in_v, isem = in_bufs[b]
            t = p * 2 + b
            base = row0 + t * BLK_I
            pltpu.make_async_copy(
                x_hbm.at[pl.ds(base, BLK_I)], in_v, isem).wait()

            for h in range(2):
                out_v, osem = out_bufs[h]
                obase = base + h * BLK_O

                @pl.when(t >= 1)
                def _drain():
                    pltpu.make_async_copy(
                        out_v, out_hbm.at[pl.ds(obase - BLK_I, BLK_O)], osem
                    ).wait()

                @plsc.parallel_loop(0, CHUNKS, unroll=8)
                def chunk(c):
                    col = c * LANES
                    idx = perm_v[pl.ds(col, LANES)]
                    for r in range(BLK_O):
                        vals = plsc.load_gather(
                            in_v, [row_ids[h * BLK_O + r], idx])
                        out_v[r, pl.ds(col, LANES)] = vals

                pltpu.make_async_copy(
                    out_v, out_hbm.at[pl.ds(obase, BLK_O)], osem).start()

            @pl.when(t + 2 < STEPS)
            def _prefetch():
                pltpu.make_async_copy(
                    x_hbm.at[pl.ds(base + 2 * BLK_I, BLK_I)], in_v, isem
                ).start()

        return carry

    lax.fori_loop(0, NPAIR, pair, 0)

    for h in range(2):
        obase = row0 + (STEPS - 1) * BLK_I + h * BLK_O
        pltpu.make_async_copy(
            out_bufs[h][0], out_hbm.at[pl.ds(obase, BLK_O)],
            out_bufs[h][1]).wait()


@jax.jit
def _permute(x, perm):
    mesh = plsc.VectorSubcoreMesh(core_axis_name="c", subcore_axis_name="s")
    run = pl.kernel(
        _permute_body,
        mesh=mesh,
        compiler_params=pltpu.CompilerParams(needs_layout_passes=False),
        out_type=jax.ShapeDtypeStruct((ROWS, COLS), jnp.float32),
        scratch_types=[
            pltpu.VMEM((COLS,), jnp.int32),
            pltpu.VMEM((BLK_I, COLS), jnp.float32),
            pltpu.VMEM((BLK_I, COLS), jnp.float32),
            pltpu.VMEM((BLK_O, COLS), jnp.float32),
            pltpu.VMEM((BLK_O, COLS), jnp.float32),
            pltpu.SemaphoreType.DMA,
            pltpu.SemaphoreType.DMA,
            pltpu.SemaphoreType.DMA,
            pltpu.SemaphoreType.DMA,
            pltpu.SemaphoreType.DMA,
        ],
    )
    return run(x, perm)


def kernel(x, perm, perm_inv):
    out = _permute(x, perm.astype(jnp.int32))
    return (out, 0)

# --- scband reference (transcript-rebuilt; emitter-appended) ---
"""Pipeline reference for scband-permute-random-1314259992975 (READ-ONLY COPY).

The authoritative reference and input builder live on the scoring server;
editing this copy changes nothing except your own understanding.
"""

import jax, jax.numpy as jnp
import numpy as np

IN_CHANNELS = 2048
SEED = 123456

def _make_perms():
    np.random.seed(SEED)
    perm = np.random.permutation(IN_CHANNELS)
    perm_inv = np.zeros_like(perm)
    for i, p in enumerate(perm):
        perm_inv[p] = i
    return jnp.asarray(perm, dtype=jnp.int64), jnp.asarray(perm_inv, dtype=jnp.int64)

def setup_inputs(seed: int = 0) -> dict:
    key = jax.random.key(seed)
    x = jax.random.normal(key, (16384, IN_CHANNELS), dtype=jnp.float32)
    perm, perm_inv = _make_perms()
    return {"x": x, "perm": perm, "perm_inv": perm_inv}

def reference(x, perm, perm_inv):
    # PermuteRandom.forward(x, reverse=False): gather columns by perm
    out = jnp.take(x, perm, axis=1)
    return (out, 0)

if __name__ == "__main__":
    import jax
    _d = setup_inputs()
    print(jax.jit(kernel)(*tuple(_d.values())))

</pallas_src>

<mosaic_0001>
#map = affine_map<(d0, d1) -> (0, 0)>
#map1 = affine_map<(d0, d1) -> (0)>
module attributes {stable_mosaic.version = 14 : i64} {
  func.func @_permute_body(%arg0: i32, %arg1: i32, %arg2: memref<16384x2048xf32, #tpu.memory_space<hbm>>, %arg3: memref<2048xi32, #tpu.memory_space<hbm>>, %arg4: memref<16384x2048xf32, #tpu.memory_space<hbm>>, %arg5: memref<2048xi32, #tpu.memory_space<vmem>>, %arg6: memref<16x2048xf32, #tpu.memory_space<vmem>>, %arg7: memref<16x2048xf32, #tpu.memory_space<vmem>>, %arg8: memref<8x2048xf32, #tpu.memory_space<vmem>>, %arg9: memref<8x2048xf32, #tpu.memory_space<vmem>>, %arg10: memref<!tpu.dma_semaphore, #tpu.memory_space<semaphore_mem>>, %arg11: memref<!tpu.dma_semaphore, #tpu.memory_space<semaphore_mem>>, %arg12: memref<!tpu.dma_semaphore, #tpu.memory_space<semaphore_mem>>, %arg13: memref<!tpu.dma_semaphore, #tpu.memory_space<semaphore_mem>>, %arg14: memref<!tpu.dma_semaphore, #tpu.memory_space<semaphore_mem>>) attributes {dimension_semantics = [#tpu.dimension_semantics<core_parallel>, #tpu.dimension_semantics<subcore_parallel>], iteration_bounds = array<i64: 2, 16>, scalar_prefetch = 0 : i64, scratch_operands = 10 : i64, tpu.core_type = #tpu.core_type<sc_vector_subcore>, window_params = [{transform_indices = #map}, {transform_indices = #map1}, {transform_indices = #map}]} {
    %mul3A = arith.constant 2 : i32
    %mul3A_0 = arith.muli %arg1, %mul3A : i32
    %add3A = arith.addi %mul3A_0, %arg0 : i32
    %mul3A_1 = arith.constant 512 : i32
    %mul3A_2 = arith.muli %add3A, %mul3A_1 : i32
    tpu.enqueue_dma source(%arg3 : memref<2048xi32, #tpu.memory_space<hbm>>) target(%arg5 : memref<2048xi32, #tpu.memory_space<vmem>>) target_semaphore(%arg14 : memref<!tpu.dma_semaphore, #tpu.memory_space<semaphore_mem>>)
    %add3A_3 = arith.constant 0 : i32
    %add3A_4 = arith.addi %mul3A_2, %add3A_3 : i32
    %dma_start3A = arith.constant 0 : i32
    %dma_start3A_5 = tpu.memref_slice %arg2[%add3A_4, %dma_start3A] : memref<16384x2048xf32, #tpu.memory_space<hbm>> -> memref<16x2048xf32, #tpu.memory_space<hbm>>
    %dma_start3A_6 = arith.constant 0 : i32
    %dma_start3A_7 = tpu.memref_slice %arg2[%add3A_4, %dma_start3A_6] : memref<16384x2048xf32, #tpu.memory_space<hbm>> -> memref<16x2048xf32, #tpu.memory_space<hbm>>
    tpu.enqueue_dma source(%dma_start3A_7 : memref<16x2048xf32, #tpu.memory_space<hbm>>) target(%arg6 : memref<16x2048xf32, #tpu.memory_space<vmem>>) target_semaphore(%arg10 : memref<!tpu.dma_semaphore, #tpu.memory_space<semaphore_mem>>)
    %add3A_8 = arith.constant 16 : i32
    %add3A_9 = arith.addi %mul3A_2, %add3A_8 : i32
    %dma_start3A_10 = arith.constant 0 : i32
    %dma_start3A_11 = tpu.memref_slice %arg2[%add3A_9, %dma_start3A_10] : memref<16384x2048xf32, #tpu.memory_space<hbm>> -> memref<16x2048xf32, #tpu.memory_space<hbm>>
    %dma_start3A_12 = arith.constant 0 : i32
    %dma_start3A_13 = tpu.memref_slice %arg2[%add3A_9, %dma_start3A_12] : memref<16384x2048xf32, #tpu.memory_space<hbm>> -> memref<16x2048xf32, #tpu.memory_space<hbm>>
    tpu.enqueue_dma source(%dma_start3A_13 : memref<16x2048xf32, #tpu.memory_space<hbm>>) target(%arg7 : memref<16x2048xf32, #tpu.memory_space<vmem>>) target_semaphore(%arg11 : memref<!tpu.dma_semaphore, #tpu.memory_space<semaphore_mem>>)
    tpu.wait_dma2 semaphore(%arg14 : memref<!tpu.dma_semaphore, #tpu.memory_space<semaphore_mem>>) src(%arg3 : memref<2048xi32, #tpu.memory_space<hbm>>) dst(%arg5 : memref<2048xi32, #tpu.memory_space<vmem>>)
    %broadcast_in_dim3A = arith.constant 0 : i32
    %broadcast_in_dim3A_14 = vector.broadcast %broadcast_in_dim3A : i32 to vector<16xi32>
    %broadcast_in_dim3A_15 = arith.constant 1 : i32
    %broadcast_in_dim3A_16 = vector.broadcast %broadcast_in_dim3A_15 : i32 to vector<16xi32>
    %broadcast_in_dim3A_17 = arith.constant 2 : i32
    %broadcast_in_dim3A_18 = vector.broadcast %broadcast_in_dim3A_17 : i32 to vector<16xi32>
    %broadcast_in_dim3A_19 = arith.constant 3 : i32
    %broadcast_in_dim3A_20 = vector.broadcast %broadcast_in_dim3A_19 : i32 to vector<16xi32>
    %broadcast_in_dim3A_21 = arith.constant 4 : i32
    %broadcast_in_dim3A_22 = vector.broadcast %broadcast_in_dim3A_21 : i32 to vector<16xi32>
    %broadcast_in_dim3A_23 = arith.constant 5 : i32
    %broadcast_in_dim3A_24 = vector.broadcast %broadcast_in_dim3A_23 : i32 to vector<16xi32>
    %broadcast_in_dim3A_25 = arith.constant 6 : i32
    %broadcast_in_dim3A_26 = vector.broadcast %broadcast_in_dim3A_25 : i32 to vector<16xi32>
    %broadcast_in_dim3A_27 = arith.constant 7 : i32
    %broadcast_in_dim3A_28 = vector.broadcast %broadcast_in_dim3A_27 : i32 to vector<16xi32>
    %broadcast_in_dim3A_29 = arith.constant 8 : i32
    %broadcast_in_dim3A_30 = vector.broadcast %broadcast_in_dim3A_29 : i32 to vector<16xi32>
    %broadcast_in_dim3A_31 = arith.constant 9 : i32
    %broadcast_in_dim3A_32 = vector.broadcast %broadcast_in_dim3A_31 : i32 to vector<16xi32>
    %broadcast_in_dim3A_33 = arith.constant 10 : i32
    %broadcast_in_dim3A_34 = vector.broadcast %broadcast_in_dim3A_33 : i32 to vector<16xi32>
    %broadcast_in_dim3A_35 = arith.constant 11 : i32
    %broadcast_in_dim3A_36 = vector.broadcast %broadcast_in_dim3A_35 : i32 to vector<16xi32>
    %broadcast_in_dim3A_37 = arith.constant 12 : i32
    %broadcast_in_dim3A_38 = vector.broadcast %broadcast_in_dim3A_37 : i32 to vector<16xi32>
    %broadcast_in_dim3A_39 = arith.constant 13 : i32
    %broadcast_in_dim3A_40 = vector.broadcast %broadcast_in_dim3A_39 : i32 to vector<16xi32>
    %broadcast_in_dim3A_41 = arith.constant 14 : i32
    %broadcast_in_dim3A_42 = vector.broadcast %broadcast_in_dim3A_41 : i32 to vector<16xi32>
    %broadcast_in_dim3A_43 = arith.constant 15 : i32
    %broadcast_in_dim3A_44 = vector.broadcast %broadcast_in_dim3A_43 : i32 to vector<16xi32>
    %scan3A = arith.constant 0 : i32
    %scan3A_45 = arith.constant 0 : i32
    %scan3A_46 = arith.constant 16 : i32
    %scan3A_47 = arith.addi %scan3A_45, %scan3A_46 : i32
    %scan3A_48 = arith.constant 1 : i32
    scf.for %scan3A_65 = %scan3A_45 to %scan3A_47 step %scan3A_48  : i32 {
      %mul3A_66 = arith.constant 2 : i32
      %mul3A_67 = arith.muli %scan3A_65, %mul3A_66 : i32
      %add3A_68 = arith.constant 0 : i32
      %add3A_69 = arith.addi %mul3A_67, %add3A_68 : i32
      %mul3A_70 = arith.constant 16 : i32
      %mul3A_71 = arith.muli %add3A_69, %mul3A_70 : i32
      %add3A_72 = arith.addi %mul3A_2, %mul3A_71 : i32
      %dma_wait3A_73 = arith.constant 0 : i32
      %dma_wait3A_74 = tpu.memref_slice %arg2[%add3A_72, %dma_wait3A_73] : memref<16384x2048xf32, #tpu.memory_space<hbm>> -> memref<16x2048xf32, #tpu.memory_space<hbm>>
      %dma_wait3A_75 = arith.constant 0 : i32
      %dma_wait3A_76 = tpu.memref_slice %arg2[%add3A_72, %dma_wait3A_75] : memref<16384x2048xf32, #tpu.memory_space<hbm>> -> memref<16x2048xf32, #tpu.memory_space<hbm>>
      tpu.wait_dma2 semaphore(%arg10 : memref<!tpu.dma_semaphore, #tpu.memory_space<semaphore_mem>>) src(%dma_wait3A_76 : memref<16x2048xf32, #tpu.memory_space<hbm>>) dst(%arg6 : memref<16x2048xf32, #tpu.memory_space<vmem>>)
      %add3A_77 = arith.constant 0 : i32
      %add3A_78 = arith.addi %add3A_72, %add3A_77 : i32
      %ge3A = arith.constant 1 : i32
      %ge3A_79 = arith.cmpi sge, %add3A_69, %ge3A : i32
      %convert_element_type3A = arith.extui %ge3A_79 : i1 to i32
      %cond3A = arith.constant 0 : i32
      %cond3A_80 = arith.cmpi ne, %convert_element_type3A, %cond3A : i32
      scf.if %cond3A_80 {
        %sub3A = arith.constant 16 : i32
        %sub3A_153 = arith.subi %add3A_78, %sub3A : i32
        %dma_wait3A_154 = arith.constant 0 : i32
        %dma_wait3A_155 = tpu.memref_slice %arg4[%sub3A_153, %dma_wait3A_154] : memref<16384x2048xf32, #tpu.memory_space<hbm>> -> memref<8x2048xf32, #tpu.memory_space<hbm>>
        %dma_wait3A_156 = arith.constant 0 : i32
        %dma_wait3A_157 = tpu.memref_slice %arg4[%sub3A_153, %dma_wait3A_156] : memref<16384x2048xf32, #tpu.memory_space<hbm>> -> memref<8x2048xf32, #tpu.memory_space<hbm>>
        tpu.wait_dma2 semaphore(%arg12 : memref<!tpu.dma_semaphore, #tpu.memory_space<semaphore_mem>>) src(%arg8 : memref<8x2048xf32, #tpu.memory_space<vmem>>) dst(%dma_wait3A_157 : memref<8x2048xf32, #tpu.memory_space<hbm>>)
      } else {
      }
      %parallel_loop3A = arith.constant 0 : i32
      %parallel_loop3A_81 = arith.constant 128 : i32
      %parallel_loop3A_82 = arith.constant 1 : i32
      scf.for %parallel_loop3A_153 = %parallel_loop3A to %parallel_loop3A_81 step %parallel_loop3A_82  : i32 {
        %parallel_loop3A_154 = arith.constant 16 : i32
        %parallel_loop3A_155 = arith.muli %parallel_loop3A_153, %parallel_loop3A_154 : i32
        %parallel_loop3A_156 = arith.index_cast %parallel_loop3A_155 : i32 to index
        %parallel_loop3A_157 = tpu.vector_load %arg5[%parallel_loop3A_156] {strides = array<i32>} : memref<2048xi32, #tpu.memory_space<vmem>>, vector<16xi32>,
        %parallel_loop3A_158 = tpu.vector_load_idx %arg6[%broadcast_in_dim3A_14, %parallel_loop3A_157] : memref<16x2048xf32, #tpu.memory_space<vmem>>[vector<16xi32>, vector<16xi32>], vector<16xf32>,
        %parallel_loop3A_159 = arith.constant 0 : i32
        %parallel_loop3A_160 = arith.index_cast %parallel_loop3A_159 : i32 to index
        %parallel_loop3A_161 = arith.index_cast %parallel_loop3A_155 : i32 to index
        %parallel_loop3A_162 = tpu.vector_load %arg8[%parallel_loop3A_160, %parallel_loop3A_161] {strides = array<i32>} : memref<8x2048xf32, #tpu.memory_space<vmem>>, vector<16xf32>,
        tpu.vector_store %arg8[%parallel_loop3A_160, %parallel_loop3A_161], %parallel_loop3A_158 {strides = array<i32>} : memref<8x2048xf32, #tpu.memory_space<vmem>>, vector<16xf32>,
        %parallel_loop3A_163 = tpu.vector_load_idx %arg6[%broadcast_in_dim3A_16, %parallel_loop3A_157] : memref<16x2048xf32, #tpu.memory_space<vmem>>[vector<16xi32>, vector<16xi32>], vector<16xf32>,
        %parallel_loop3A_164 = arith.constant 1 : i32
        %parallel_loop3A_165 = arith.index_cast %parallel_loop3A_164 : i32 to index
        %parallel_loop3A_166 = arith.index_cast %parallel_loop3A_155 : i32 to index
        %parallel_loop3A_167 = tpu.vector_load %arg8[%parallel_loop3A_165, %parallel_loop3A_166] {strides = array<i32>} : memref<8x2048xf32, #tpu.memory_space<vmem>>, vector<16xf32>,
        tpu.vector_store %arg8[%parallel_loop3A_165, %parallel_loop3A_166], %parallel_loop3A_163 {strides = array<i32>} : memref<8x2048xf32, #tpu.memory_space<vmem>>, vector<16xf32>,
        %parallel_loop3A_168 = tpu.vector_load_idx %arg6[%broadcast_in_dim3A_18, %parallel_loop3A_157] : memref<16x2048xf32, #tpu.memory_space<vmem>>[vector<16xi32>, vector<16xi32>], vector<16xf32>,
        %parallel_loop3A_169 = arith.constant 2 : i32
        %parallel_loop3A_170 = arith.index_cast %parallel_loop3A_169 : i32 to index
        %parallel_loop3A_171 = arith.index_cast %parallel_loop3A_155 : i32 to index
        %parallel_loop3A_172 = tpu.vector_load %arg8[%parallel_loop3A_170, %parallel_loop3A_171] {strides = array<i32>} : memref<8x2048xf32, #tpu.memory_space<vmem>>, vector<16xf32>,
        tpu.vector_store %arg8[%parallel_loop3A_170, %parallel_loop3A_171], %parallel_loop3A_168 {strides = array<i32>} : memref<8x2048xf32, #tpu.memory_space<vmem>>, vector<16xf32>,
        %parallel_loop3A_173 = tpu.vector_load_idx %arg6[%broadcast_in_dim3A_20, %parallel_loop3A_157] : memref<16x2048xf32, #tpu.memory_space<vmem>>[vector<16xi32>, vector<16xi32>], vector<16xf32>,
        %parallel_loop3A_174 = arith.constant 3 : i32
        %parallel_loop3A_175 = arith.index_cast %parallel_loop3A_174 : i32 to index
        %parallel_loop3A_176 = arith.index_cast %parallel_loop3A_155 : i32 to index
        %parallel_loop3A_177 = tpu.vector_load %arg8[%parallel_loop3A_175, %parallel_loop3A_176] {strides = array<i32>} : memref<8x2048xf32, #tpu.memory_space<vmem>>, vector<16xf32>,
        tpu.vector_store %arg8[%parallel_loop3A_175, %parallel_loop3A_176], %parallel_loop3A_173 {strides = array<i32>} : memref<8x2048xf32, #tpu.memory_space<vmem>>, vector<16xf32>,
        %parallel_loop3A_178 = tpu.vector_load_idx %arg6[%broadcast_in_dim3A_22, %parallel_loop3A_157] : memref<16x2048xf32, #tpu.memory_space<vmem>>[vector<16xi32>, vector<16xi32>], vector<16xf32>,
        %parallel_loop3A_179 = arith.constant 4 : i32
        %parallel_loop3A_180 = arith.index_cast %parallel_loop3A_179 : i32 to index
        %parallel_loop3A_181 = arith.index_cast %parallel_loop3A_155 : i32 to index
        %parallel_loop3A_182 = tpu.vector_load %arg8[%parallel_loop3A_180, %parallel_loop3A_181] {strides = array<i32>} : memref<8x2048xf32, #tpu.memory_space<vmem>>, vector<16xf32>,
        tpu.vector_store %arg8[%parallel_loop3A_180, %parallel_loop3A_181], %parallel_loop3A_178 {strides = array<i32>} : memref<8x2048xf32, #tpu.memory_space<vmem>>, vector<16xf32>,
        %parallel_loop3A_183 = tpu.vector_load_idx %arg6[%broadcast_in_dim3A_24, %parallel_loop3A_157] : memref<16x2048xf32, #tpu.memory_space<vmem>>[vector<16xi32>, vector<16xi32>], vector<16xf32>,
        %parallel_loop3A_184 = arith.constant 5 : i32
        %parallel_loop3A_185 = arith.index_cast %parallel_loop3A_184 : i32 to index
        %parallel_loop3A_186 = arith.index_cast %parallel_loop3A_155 : i32 to index
        %parallel_loop3A_187 = tpu.vector_load %arg8[%parallel_loop3A_185, %parallel_loop3A_186] {strides = array<i32>} : memref<8x2048xf32, #tpu.memory_space<vmem>>, vector<16xf32>,
        tpu.vector_store %arg8[%parallel_loop3A_185, %parallel_loop3A_186], %parallel_loop3A_183 {strides = array<i32>} : memref<8x2048xf32, #tpu.memory_space<vmem>>, vector<16xf32>,
        %parallel_loop3A_188 = tpu.vector_load_idx %arg6[%broadcast_in_dim3A_26, %parallel_loop3A_157] : memref<16x2048xf32, #tpu.memory_space<vmem>>[vector<16xi32>, vector<16xi32>], vector<16xf32>,
        %parallel_loop3A_189 = arith.constant 6 : i32
        %parallel_loop3A_190 = arith.index_cast %parallel_loop3A_189 : i32 to index
        %parallel_loop3A_191 = arith.index_cast %parallel_loop3A_155 : i32 to index
        %parallel_loop3A_192 = tpu.vector_load %arg8[%parallel_loop3A_190, %parallel_loop3A_191] {strides = array<i32>} : memref<8x2048xf32, #tpu.memory_space<vmem>>, vector<16xf32>,
        tpu.vector_store %arg8[%parallel_loop3A_190, %parallel_loop3A_191], %parallel_loop3A_188 {strides = array<i32>} : memref<8x2048xf32, #tpu.memory_space<vmem>>, vector<16xf32>,
        %parallel_loop3A_193 = tpu.vector_load_idx %arg6[%broadcast_in_dim3A_28, %parallel_loop3A_157] : memref<16x2048xf32, #tpu.memory_space<vmem>>[vector<16xi32>, vector<16xi32>], vector<16xf32>,
        %parallel_loop3A_194 = arith.constant 7 : i32
        %parallel_loop3A_195 = arith.index_cast %parallel_loop3A_194 : i32 to index
        %parallel_loop3A_196 = arith.index_cast %parallel_loop3A_155 : i32 to index
        %parallel_loop3A_197 = tpu.vector_load %arg8[%parallel_loop3A_195, %parallel_loop3A_196] {strides = array<i32>} : memref<8x2048xf32, #tpu.memory_space<vmem>>, vector<16xf32>,
        tpu.vector_store %arg8[%parallel_loop3A_195, %parallel_loop3A_196], %parallel_loop3A_193 {strides = array<i32>} : memref<8x2048xf32, #tpu.memory_space<vmem>>, vector<16xf32>,
      } {sc.loop_unroll_factor = 8 : i64, sc.parallel_access}
      %dma_start3A_83 = arith.constant 0 : i32
      %dma_start3A_84 = tpu.memref_slice %arg4[%add3A_78, %dma_start3A_83] : memref<16384x2048xf32, #tpu.memory_space<hbm>> -> memref<8x2048xf32, #tpu.memory_space<hbm>>
      %dma_start3A_85 = arith.constant 0 : i32
      %dma_start3A_86 = tpu.memref_slice %arg4[%add3A_78, %dma_start3A_85] : memref<16384x2048xf32, #tpu.memory_space<hbm>> -> memref<8x2048xf32, #tpu.memory_space<hbm>>
      tpu.enqueue_dma source(%arg8 : memref<8x2048xf32, #tpu.memory_space<vmem>>) target(%dma_start3A_86 : memref<8x2048xf32, #tpu.memory_space<hbm>>) target_semaphore(%arg12 : memref<!tpu.dma_semaphore, #tpu.memory_space<semaphore_mem>>)
      %add3A_87 = arith.constant 8 : i32
      %add3A_88 = arith.addi %add3A_72, %add3A_87 : i32
      %ge3A_89 = arith.constant 1 : i32
      %ge3A_90 = arith.cmpi sge, %add3A_69, %ge3A_89 : i32
      %convert_element_type3A_91 = arith.extui %ge3A_90 : i1 to i32
      %cond3A_92 = arith.constant 0 : i32
      %cond3A_93 = arith.cmpi ne, %convert_element_type3A_91, %cond3A_92 : i32
      scf.if %cond3A_93 {
        %sub3A = arith.constant 16 : i32
        %sub3A_153 = arith.subi %add3A_88, %sub3A : i32
        %dma_wait3A_154 = arith.constant 0 : i32
        %dma_wait3A_155 = tpu.memref_slice %arg4[%sub3A_153, %dma_wait3A_154] : memref<16384x2048xf32, #tpu.memory_space<hbm>> -> memref<8x2048xf32, #tpu.memory_space<hbm>>
        %dma_wait3A_156 = arith.constant 0 : i32
        %dma_wait3A_157 = tpu.memref_slice %arg4[%sub3A_153, %dma_wait3A_156] : memref<16384x2048xf32, #tpu.memory_space<hbm>> -> memref<8x2048xf32, #tpu.memory_space<hbm>>
        tpu.wait_dma2 semaphore(%arg13 : memref<!tpu.dma_semaphore, #tpu.memory_space<semaphore_mem>>) src(%arg9 : memref<8x2048xf32, #tpu.memory_space<vmem>>) dst(%dma_wait3A_157 : memref<8x2048xf32, #tpu.memory_space<hbm>>)
      } else {
      }
      %parallel_loop3A_94 = arith.constant 0 : i32
      %parallel_loop3A_95 = arith.constant 128 : i32
      %parallel_loop3A_96 = arith.constant 1 : i32
      scf.for %parallel_loop3A_153 = %parallel_loop3A_94 to %parallel_loop3A_95 step %parallel_loop3A_96  : i32 {
        %parallel_loop3A_154 = arith.constant 16 : i32
        %parallel_loop3A_155 = arith.muli %parallel_loop3A_153, %parallel_loop3A_154 : i32
        %parallel_loop3A_156 = arith.index_cast %parallel_loop3A_155 : i32 to index
        %parallel_loop3A_157 = tpu.vector_load %arg5[%parallel_loop3A_156] {strides = array<i32>} : memref<2048xi32, #tpu.memory_space<vmem>>, vector<16xi32>,
        %parallel_loop3A_158 = tpu.vector_load_idx %arg6[%broadcast_in_dim3A_30, %parallel_loop3A_157] : memref<16x2048xf32, #tpu.memory_space<vmem>>[vector<16xi32>, vector<16xi32>], vector<16xf32>,
        %parallel_loop3A_159 = arith.constant 0 : i32
        %parallel_loop3A_160 = arith.index_cast %parallel_loop3A_159 : i32 to index
        %parallel_loop3A_161 = arith.index_cast %parallel_loop3A_155 : i32 to index
        %parallel_loop3A_162 = tpu.vector_load %arg9[%parallel_loop3A_160, %parallel_loop3A_161] {strides = array<i32>} : memref<8x2048xf32, #tpu.memory_space<vmem>>, vector<16xf32>,
        tpu.vector_store %arg9[%parallel_loop3A_160, %parallel_loop3A_161], %parallel_loop3A_158 {strides = array<i32>} : memref<8x2048xf32, #tpu.memory_space<vmem>>, vector<16xf32>,
        %parallel_loop3A_163 = tpu.vector_load_idx %arg6[%broadcast_in_dim3A_32, %parallel_loop3A_157] : memref<16x2048xf32, #tpu.memory_space<vmem>>[vector<16xi32>, vector<16xi32>], vector<16xf32>,
        %parallel_loop3A_164 = arith.constant 1 : i32
        %parallel_loop3A_165 = arith.index_cast %parallel_loop3A_164 : i32 to index
        %parallel_loop3A_166 = arith.index_cast %parallel_loop3A_155 : i32 to index
        %parallel_loop3A_167 = tpu.vector_load %arg9[%parallel_loop3A_165, %parallel_loop3A_166] {strides = array<i32>} : memref<8x2048xf32, #tpu.memory_space<vmem>>, vector<16xf32>,
        tpu.vector_store %arg9[%parallel_loop3A_165, %parallel_loop3A_166], %parallel_loop3A_163 {strides = array<i32>} : memref<8x2048xf32, #tpu.memory_space<vmem>>, vector<16xf32>,
        %parallel_loop3A_168 = tpu.vector_load_idx %arg6[%broadcast_in_dim3A_34, %parallel_loop3A_157] : memref<16x2048xf32, #tpu.memory_space<vmem>>[vector<16xi32>, vector<16xi32>], vector<16xf32>,
        %parallel_loop3A_169 = arith.constant 2 : i32
        %parallel_loop3A_170 = arith.index_cast %parallel_loop3A_169 : i32 to index
        %parallel_loop3A_171 = arith.index_cast %parallel_loop3A_155 : i32 to index
        %parallel_loop3A_172 = tpu.vector_load %arg9[%parallel_loop3A_170, %parallel_loop3A_171] {strides = array<i32>} : memref<8x2048xf32, #tpu.memory_space<vmem>>, vector<16xf32>,
        tpu.vector_store %arg9[%parallel_loop3A_170, %parallel_loop3A_171], %parallel_loop3A_168 {strides = array<i32>} : memref<8x2048xf32, #tpu.memory_space<vmem>>, vector<16xf32>,
        %parallel_loop3A_173 = tpu.vector_load_idx %arg6[%broadcast_in_dim3A_36, %parallel_loop3A_157] : memref<16x2048xf32, #tpu.memory_space<vmem>>[vector<16xi32>, vector<16xi32>], vector<16xf32>,
        %parallel_loop3A_174 = arith.constant 3 : i32
        %parallel_loop3A_175 = arith.index_cast %parallel_loop3A_174 : i32 to index
        %parallel_loop3A_176 = arith.index_cast %parallel_loop3A_155 : i32 to index
        %parallel_loop3A_177 = tpu.vector_load %arg9[%parallel_loop3A_175, %parallel_loop3A_176] {strides = array<i32>} : memref<8x2048xf32, #tpu.memory_space<vmem>>, vector<16xf32>,
        tpu.vector_store %arg9[%parallel_loop3A_175, %parallel_loop3A_176], %parallel_loop3A_173 {strides = array<i32>} : memref<8x2048xf32, #tpu.memory_space<vmem>>, vector<16xf32>,
        %parallel_loop3A_178 = tpu.vector_load_idx %arg6[%broadcast_in_dim3A_38, %parallel_loop3A_157] : memref<16x2048xf32, #tpu.memory_space<vmem>>[vector<16xi32>, vector<16xi32>], vector<16xf32>,
        %parallel_loop3A_179 = arith.constant 4 : i32
        %parallel_loop3A_180 = arith.index_cast %parallel_loop3A_179 : i32 to index
        %parallel_loop3A_181 = arith.index_cast %parallel_loop3A_155 : i32 to index
        %parallel_loop3A_182 = tpu.vector_load %arg9[%parallel_loop3A_180, %parallel_loop3A_181] {strides = array<i32>} : memref<8x2048xf32, #tpu.memory_space<vmem>>, vector<16xf32>,
        tpu.vector_store %arg9[%parallel_loop3A_180, %parallel_loop3A_181], %parallel_loop3A_178 {strides = array<i32>} : memref<8x2048xf32, #tpu.memory_space<vmem>>, vector<16xf32>,
        %parallel_loop3A_183 = tpu.vector_load_idx %arg6[%broadcast_in_dim3A_40, %parallel_loop3A_157] : memref<16x2048xf32, #tpu.memory_space<vmem>>[vector<16xi32>, vector<16xi32>], vector<16xf32>,
        %parallel_loop3A_184 = arith.constant 5 : i32
        %parallel_loop3A_185 = arith.index_cast %parallel_loop3A_184 : i32 to index
        %parallel_loop3A_186 = arith.index_cast %parallel_loop3A_155 : i32 to index
        %parallel_loop3A_187 = tpu.vector_load %arg9[%parallel_loop3A_185, %parallel_loop3A_186] {strides = array<i32>} : memref<8x2048xf32, #tpu.memory_space<vmem>>, vector<16xf32>,
        tpu.vector_store %arg9[%parallel_loop3A_185, %parallel_loop3A_186], %parallel_loop3A_183 {strides = array<i32>} : memref<8x2048xf32, #tpu.memory_space<vmem>>, vector<16xf32>,
        %parallel_loop3A_188 = tpu.vector_load_idx %arg6[%broadcast_in_dim3A_42, %parallel_loop3A_157] : memref<16x2048xf32, #tpu.memory_space<vmem>>[vector<16xi32>, vector<16xi32>], vector<16xf32>,
        %parallel_loop3A_189 = arith.constant 6 : i32
        %parallel_loop3A_190 = arith.index_cast %parallel_loop3A_189 : i32 to index
        %parallel_loop3A_191 = arith.index_cast %parallel_loop3A_155 : i32 to index
        %parallel_loop3A_192 = tpu.vector_load %arg9[%parallel_loop3A_190, %parallel_loop3A_191] {strides = array<i32>} : memref<8x2048xf32, #tpu.memory_space<vmem>>, vector<16xf32>,
        tpu.vector_store %arg9[%parallel_loop3A_190, %parallel_loop3A_191], %parallel_loop3A_188 {strides = array<i32>} : memref<8x2048xf32, #tpu.memory_space<vmem>>, vector<16xf32>,
        %parallel_loop3A_193 = tpu.vector_load_idx %arg6[%broadcast_in_dim3A_44, %parallel_loop3A_157] : memref<16x2048xf32, #tpu.memory_space<vmem>>[vector<16xi32>, vector<16xi32>], vector<16xf32>,
        %parallel_loop3A_194 = arith.constant 7 : i32
        %parallel_loop3A_195 = arith.index_cast %parallel_loop3A_194 : i32 to index
        %parallel_loop3A_196 = arith.index_cast %parallel_loop3A_155 : i32 to index
        %parallel_loop3A_197 = tpu.vector_load %arg9[%parallel_loop3A_195, %parallel_loop3A_196] {strides = array<i32>} : memref<8x2048xf32, #tpu.memory_space<vmem>>, vector<16xf32>,
        tpu.vector_store %arg9[%parallel_loop3A_195, %parallel_loop3A_196], %parallel_loop3A_193 {strides = array<i32>} : memref<8x2048xf32, #tpu.memory_space<vmem>>, vector<16xf32>,
      } {sc.loop_unroll_factor = 8 : i64, sc.parallel_access}
      %dma_start3A_97 = arith.constant 0 : i32
      %dma_start3A_98 = tpu.memref_slice %arg4[%add3A_88, %dma_start3A_97] : memref<16384x2048xf32, #tpu.memory_space<hbm>> -> memref<8x2048xf32, #tpu.memory_space<hbm>>
      %dma_start3A_99 = arith.constant 0 : i32
      %dma_start3A_100 = tpu.memref_slice %arg4[%add3A_88, %dma_start3A_99] : memref<16384x2048xf32, #tpu.memory_space<hbm>> -> memref<8x2048xf32, #tpu.memory_space<hbm>>
      tpu.enqueue_dma source(%arg9 : memref<8x2048xf32, #tpu.memory_space<vmem>>) target(%dma_start3A_100 : memref<8x2048xf32, #tpu.memory_space<hbm>>) target_semaphore(%arg13 : memref<!tpu.dma_semaphore, #tpu.memory_space<semaphore_mem>>)
      %add3A_101 = arith.constant 2 : i32
      %add3A_102 = arith.addi %add3A_69, %add3A_101 : i32
      %lt3A = arith.constant 32 : i32
      %lt3A_103 = arith.cmpi slt, %add3A_102, %lt3A : i32
      %convert_element_type3A_104 = arith.extui %lt3A_103 : i1 to i32
      %cond3A_105 = arith.constant 0 : i32
      %cond3A_106 = arith.cmpi ne, %convert_element_type3A_104, %cond3A_105 : i32
      scf.if %cond3A_106 {
        %add3A_153 = arith.constant 32 : i32
        %add3A_154 = arith.addi %add3A_72, %add3A_153 : i32
        %dma_start3A_155 = arith.constant 0 : i32
        %dma_start3A_156 = tpu.memref_slice %arg2[%add3A_154, %dma_start3A_155] : memref<16384x2048xf32, #tpu.memory_space<hbm>> -> memref<16x2048xf32, #tpu.memory_space<hbm>>
        %dma_start3A_157 = arith.constant 0 : i32
        %dma_start3A_158 = tpu.memref_slice %arg2[%add3A_154, %dma_start3A_157] : memref<16384x2048xf32, #tpu.memory_space<hbm>> -> memref<16x2048xf32, #tpu.memory_space<hbm>>
        tpu.enqueue_dma source(%dma_start3A_158 : memref<16x2048xf32, #tpu.memory_space<hbm>>) target(%arg6 : memref<16x2048xf32, #tpu.memory_space<vmem>>) target_semaphore(%arg10 : memref<!tpu.dma_semaphore, #tpu.memory_space<semaphore_mem>>)
      } else {
      }
      %mul3A_107 = arith.constant 2 : i32
      %mul3A_108 = arith.muli %scan3A_65, %mul3A_107 : i32
      %add3A_109 = arith.constant 1 : i32
      %add3A_110 = arith.addi %mul3A_108, %add3A_109 : i32
      %mul3A_111 = arith.constant 16 : i32
      %mul3A_112 = arith.muli %add3A_110, %mul3A_111 : i32
      %add3A_113 = arith.addi %mul3A_2, %mul3A_112 : i32
      %dma_wait3A_114 = arith.constant 0 : i32
      %dma_wait3A_115 = tpu.memref_slice %arg2[%add3A_113, %dma_wait3A_114] : memref<16384x2048xf32, #tpu.memory_space<hbm>> -> memref<16x2048xf32, #tpu.memory_space<hbm>>
      %dma_wait3A_116 = arith.constant 0 : i32
      %dma_wait3A_117 = tpu.memref_slice %arg2[%add3A_113, %dma_wait3A_116] : memref<16384x2048xf32, #tpu.memory_space<hbm>> -> memref<16x2048xf32, #tpu.memory_space<hbm>>
      tpu.wait_dma2 semaphore(%arg11 : memref<!tpu.dma_semaphore, #tpu.memory_space<semaphore_mem>>) src(%dma_wait3A_117 : memref<16x2048xf32, #tpu.memory_space<hbm>>) dst(%arg7 : memref<16x2048xf32, #tpu.memory_space<vmem>>)
      %add3A_118 = arith.constant 0 : i32
      %add3A_119 = arith.addi %add3A_113, %add3A_118 : i32
      %ge3A_120 = arith.constant 1 : i32
      %ge3A_121 = arith.cmpi sge, %add3A_110, %ge3A_120 : i32
      %convert_element_type3A_122 = arith.extui %ge3A_121 : i1 to i32
      %cond3A_123 = arith.constant 0 : i32
      %cond3A_124 = arith.cmpi ne, %convert_element_type3A_122, %cond3A_123 : i32
      scf.if %cond3A_124 {
        %sub3A = arith.constant 16 : i32
        %sub3A_153 = arith.subi %add3A_119, %sub3A : i32
        %dma_wait3A_154 = arith.constant 0 : i32
        %dma_wait3A_155 = tpu.memref_slice %arg4[%sub3A_153, %dma_wait3A_154] : memref<16384x2048xf32, #tpu.memory_space<hbm>> -> memref<8x2048xf32, #tpu.memory_space<hbm>>
        %dma_wait3A_156 = arith.constant 0 : i32
        %dma_wait3A_157 = tpu.memref_slice %arg4[%sub3A_153, %dma_wait3A_156] : memref<16384x2048xf32, #tpu.memory_space<hbm>> -> memref<8x2048xf32, #tpu.memory_space<hbm>>
        tpu.wait_dma2 semaphore(%arg12 : memref<!tpu.dma_semaphore, #tpu.memory_space<semaphore_mem>>) src(%arg8 : memref<8x2048xf32, #tpu.memory_space<vmem>>) dst(%dma_wait3A_157 : memref<8x2048xf32, #tpu.memory_space<hbm>>)
      } else {
      }
      %parallel_loop3A_125 = arith.constant 0 : i32
      %parallel_loop3A_126 = arith.constant 128 : i32
      %parallel_loop3A_127 = arith.constant 1 : i32
      scf.for %parallel_loop3A_153 = %parallel_loop3A_125 to %parallel_loop3A_126 step %parallel_loop3A_127  : i32 {
        %parallel_loop3A_154 = arith.constant 16 : i32
        %parallel_loop3A_155 = arith.muli %parallel_loop3A_153, %parallel_loop3A_154 : i32
        %parallel_loop3A_156 = arith.index_cast %parallel_loop3A_155 : i32 to index
        %parallel_loop3A_157 = tpu.vector_load %arg5[%parallel_loop3A_156] {strides = array<i32>} : memref<2048xi32, #tpu.memory_space<vmem>>, vector<16xi32>,
        %parallel_loop3A_158 = tpu.vector_load_idx %arg7[%broadcast_in_dim3A_14, %parallel_loop3A_157] : memref<16x2048xf32, #tpu.memory_space<vmem>>[vector<16xi32>, vector<16xi32>], vector<16xf32>,
        %parallel_loop3A_159 = arith.constant 0 : i32
        %parallel_loop3A_160 = arith.index_cast %parallel_loop3A_159 : i32 to index
        %parallel_loop3A_161 = arith.index_cast %parallel_loop3A_155 : i32 to index
        %parallel_loop3A_162 = tpu.vector_load %arg8[%parallel_loop3A_160, %parallel_loop3A_161] {strides = array<i32>} : memref<8x2048xf32, #tpu.memory_space<vmem>>, vector<16xf32>,
        tpu.vector_store %arg8[%parallel_loop3A_160, %parallel_loop3A_161], %parallel_loop3A_158 {strides = array<i32>} : memref<8x2048xf32, #tpu.memory_space<vmem>>, vector<16xf32>,
        %parallel_loop3A_163 = tpu.vector_load_idx %arg7[%broadcast_in_dim3A_16, %parallel_loop3A_157] : memref<16x2048xf32, #tpu.memory_space<vmem>>[vector<16xi32>, vector<16xi32>], vector<16xf32>,
        %parallel_loop3A_164 = arith.constant 1 : i32
        %parallel_loop3A_165 = arith.index_cast %parallel_loop3A_164 : i32 to index
        %parallel_loop3A_166 = arith.index_cast %parallel_loop3A_155 : i32 to index
        %parallel_loop3A_167 = tpu.vector_load %arg8[%parallel_loop3A_165, %parallel_loop3A_166] {strides = array<i32>} : memref<8x2048xf32, #tpu.memory_space<vmem>>, vector<16xf32>,
        tpu.vector_store %arg8[%parallel_loop3A_165, %parallel_loop3A_166], %parallel_loop3A_163 {strides = array<i32>} : memref<8x2048xf32, #tpu.memory_space<vmem>>, vector<16xf32>,
        %parallel_loop3A_168 = tpu.vector_load_idx %arg7[%broadcast_in_dim3A_18, %parallel_loop3A_157] : memref<16x2048xf32, #tpu.memory_space<vmem>>[vector<16xi32>, vector<16xi32>], vector<16xf32>,
        %parallel_loop3A_169 = arith.constant 2 : i32
        %parallel_loop3A_170 = arith.index_cast %parallel_loop3A_169 : i32 to index
        %parallel_loop3A_171 = arith.index_cast %parallel_loop3A_155 : i32 to index
        %parallel_loop3A_172 = tpu.vector_load %arg8[%parallel_loop3A_170, %parallel_loop3A_171] {strides = array<i32>} : memref<8x2048xf32, #tpu.memory_space<vmem>>, vector<16xf32>,
        tpu.vector_store %arg8[%parallel_loop3A_170, %parallel_loop3A_171], %parallel_loop3A_168 {strides = array<i32>} : memref<8x2048xf32, #tpu.memory_space<vmem>>, vector<16xf32>,
        %parallel_loop3A_173 = tpu.vector_load_idx %arg7[%broadcast_in_dim3A_20, %parallel_loop3A_157] : memref<16x2048xf32, #tpu.memory_space<vmem>>[vector<16xi32>, vector<16xi32>], vector<16xf32>,
        %parallel_loop3A_174 = arith.constant 3 : i32
        %parallel_loop3A_175 = arith.index_cast %parallel_loop3A_174 : i32 to index
        %parallel_loop3A_176 = arith.index_cast %parallel_loop3A_155 : i32 to index
        %parallel_loop3A_177 = tpu.vector_load %arg8[%parallel_loop3A_175, %parallel_loop3A_176] {strides = array<i32>} : memref<8x2048xf32, #tpu.memory_space<vmem>>, vector<16xf32>,
        tpu.vector_store %arg8[%parallel_loop3A_175, %parallel_loop3A_176], %parallel_loop3A_173 {strides = array<i32>} : memref<8x2048xf32, #tpu.memory_space<vmem>>, vector<16xf32>,
        %parallel_loop3A_178 = tpu.vector_load_idx %arg7[%broadcast_in_dim3A_22, %parallel_loop3A_157] : memref<16x2048xf32, #tpu.memory_space<vmem>>[vector<16xi32>, vector<16xi32>], vector<16xf32>,
        %parallel_loop3A_179 = arith.constant 4 : i32
        %parallel_loop3A_180 = arith.index_cast %parallel_loop3A_179 : i32 to index
        %parallel_loop3A_181 = arith.index_cast %parallel_loop3A_155 : i32 to index
        %parallel_loop3A_182 = tpu.vector_load %arg8[%parallel_loop3A_180, %parallel_loop3A_181] {strides = array<i32>} : memref<8x2048xf32, #tpu.memory_space<vmem>>, vector<16xf32>,
        tpu.vector_store %arg8[%parallel_loop3A_180, %parallel_loop3A_181], %parallel_loop3A_178 {strides = array<i32>} : memref<8x2048xf32, #tpu.memory_space<vmem>>, vector<16xf32>,
        %parallel_loop3A_183 = tpu.vector_load_idx %arg7[%broadcast_in_dim3A_24, %parallel_loop3A_157] : memref<16x2048xf32, #tpu.memory_space<vmem>>[vector<16xi32>, vector<16xi32>], vector<16xf32>,
        %parallel_loop3A_184 = arith.constant 5 : i32
        %parallel_loop3A_185 = arith.index_cast %parallel_loop3A_184 : i32 to index
        %parallel_loop3A_186 = arith.index_cast %parallel_loop3A_155 : i32 to index
        %parallel_loop3A_187 = tpu.vector_load %arg8[%parallel_loop3A_185, %parallel_loop3A_186] {strides = array<i32>} : memref<8x2048xf32, #tpu.memory_space<vmem>>, vector<16xf32>,
        tpu.vector_store %arg8[%parallel_loop3A_185, %parallel_loop3A_186], %parallel_loop3A_183 {strides = array<i32>} : memref<8x2048xf32, #tpu.memory_space<vmem>>, vector<16xf32>,
        %parallel_loop3A_188 = tpu.vector_load_idx %arg7[%broadcast_in_dim3A_26, %parallel_loop3A_157] : memref<16x2048xf32, #tpu.memory_space<vmem>>[vector<16xi32>, vector<16xi32>], vector<16xf32>,
        %parallel_loop3A_189 = arith.constant 6 : i32
        %parallel_loop3A_190 = arith.index_cast %parallel_loop3A_189 : i32 to index
        %parallel_loop3A_191 = arith.index_cast %parallel_loop3A_155 : i32 to index
        %parallel_loop3A_192 = tpu.vector_load %arg8[%parallel_loop3A_190, %parallel_loop3A_191] {strides = array<i32>} : memref<8x2048xf32, #tpu.memory_space<vmem>>, vector<16xf32>,
        tpu.vector_store %arg8[%parallel_loop3A_190, %parallel_loop3A_191], %parallel_loop3A_188 {strides = array<i32>} : memref<8x2048xf32, #tpu.memory_space<vmem>>, vector<16xf32>,
        %parallel_loop3A_193 = tpu.vector_load_idx %arg7[%broadcast_in_dim3A_28, %parallel_loop3A_157] : memref<16x2048xf32, #tpu.memory_space<vmem>>[vector<16xi32>, vector<16xi32>], vector<16xf32>,
        %parallel_loop3A_194 = arith.constant 7 : i32
        %parallel_loop3A_195 = arith.index_cast %parallel_loop3A_194 : i32 to index
        %parallel_loop3A_196 = arith.index_cast %parallel_loop3A_155 : i32 to index
        %parallel_loop3A_197 = tpu.vector_load %arg8[%parallel_loop3A_195, %parallel_loop3A_196] {strides = array<i32>} : memref<8x2048xf32, #tpu.memory_space<vmem>>, vector<16xf32>,
        tpu.vector_store %arg8[%parallel_loop3A_195, %parallel_loop3A_196], %parallel_loop3A_193 {strides = array<i32>} : memref<8x2048xf32, #tpu.memory_space<vmem>>, vector<16xf32>,
      } {sc.loop_unroll_factor = 8 : i64, sc.parallel_access}
      %dma_start3A_128 = arith.constant 0 : i32
      %dma_start3A_129 = tpu.memref_slice %arg4[%add3A_119, %dma_start3A_128] : memref<16384x2048xf32, #tpu.memory_space<hbm>> -> memref<8x2048xf32, #tpu.memory_space<hbm>>
      %dma_start3A_130 = arith.constant 0 : i32
      %dma_start3A_131 = tpu.memref_slice %arg4[%add3A_119, %dma_start3A_130] : memref<16384x2048xf32, #tpu.memory_space<hbm>> -> memref<8x2048xf32, #tpu.memory_space<hbm>>
      tpu.enqueue_dma source(%arg8 : memref<8x2048xf32, #tpu.memory_space<vmem>>) target(%dma_start3A_131 : memref<8x2048xf32, #tpu.memory_space<hbm>>) target_semaphore(%arg12 : memref<!tpu.dma_semaphore, #tpu.memory_space<semaphore_mem>>)
      %add3A_132 = arith.constant 8 : i32
      %add3A_133 = arith.addi %add3A_113, %add3A_132 : i32
      %ge3A_134 = arith.constant 1 : i32
      %ge3A_135 = arith.cmpi sge, %add3A_110, %ge3A_134 : i32
      %convert_element_type3A_136 = arith.extui %ge3A_135 : i1 to i32
      %cond3A_137 = arith.constant 0 : i32
      %cond3A_138 = arith.cmpi ne, %convert_element_type3A_136, %cond3A_137 : i32
      scf.if %cond3A_138 {
        %sub3A = arith.constant 16 : i32
        %sub3A_153 = arith.subi %add3A_133, %sub3A : i32
        %dma_wait3A_154 = arith.constant 0 : i32
        %dma_wait3A_155 = tpu.memref_slice %arg4[%sub3A_153, %dma_wait3A_154] : memref<16384x2048xf32, #tpu.memory_space<hbm>> -> memref<8x2048xf32, #tpu.memory_space<hbm>>
        %dma_wait3A_156 = arith.constant 0 : i32
        %dma_wait3A_157 = tpu.memref_slice %arg4[%sub3A_153, %dma_wait3A_156] : memref<16384x2048xf32, #tpu.memory_space<hbm>> -> memref<8x2048xf32, #tpu.memory_space<hbm>>
        tpu.wait_dma2 semaphore(%arg13 : memref<!tpu.dma_semaphore, #tpu.memory_space<semaphore_mem>>) src(%arg9 : memref<8x2048xf32, #tpu.memory_space<vmem>>) dst(%dma_wait3A_157 : memref<8x2048xf32, #tpu.memory_space<hbm>>)
      } else {
      }
      %parallel_loop3A_139 = arith.constant 0 : i32
      %parallel_loop3A_140 = arith.constant 128 : i32
      %parallel_loop3A_141 = arith.constant 1 : i32
      scf.for %parallel_loop3A_153 = %parallel_loop3A_139 to %parallel_loop3A_140 step %parallel_loop3A_141  : i32 {
        %parallel_loop3A_154 = arith.constant 16 : i32
        %parallel_loop3A_155 = arith.muli %parallel_loop3A_153, %parallel_loop3A_154 : i32
        %parallel_loop3A_156 = arith.index_cast %parallel_loop3A_155 : i32 to index
        %parallel_loop3A_157 = tpu.vector_load %arg5[%parallel_loop3A_156] {strides = array<i32>} : memref<2048xi32, #tpu.memory_space<vmem>>, vector<16xi32>,
        %parallel_loop3A_158 = tpu.vector_load_idx %arg7[%broadcast_in_dim3A_30, %parallel_loop3A_157] : memref<16x2048xf32, #tpu.memory_space<vmem>>[vector<16xi32>, vector<16xi32>], vector<16xf32>,
        %parallel_loop3A_159 = arith.constant 0 : i32
        %parallel_loop3A_160 = arith.index_cast %parallel_loop3A_159 : i32 to index
        %parallel_loop3A_161 = arith.index_cast %parallel_loop3A_155 : i32 to index
        %parallel_loop3A_162 = tpu.vector_load %arg9[%parallel_loop3A_160, %parallel_loop3A_161] {strides = array<i32>} : memref<8x2048xf32, #tpu.memory_space<vmem>>, vector<16xf32>,
        tpu.vector_store %arg9[%parallel_loop3A_160, %parallel_loop3A_161], %parallel_loop3A_158 {strides = array<i32>} : memref<8x2048xf32, #tpu.memory_space<vmem>>, vector<16xf32>,
        %parallel_loop3A_163 = tpu.vector_load_idx %arg7[%broadcast_in_dim3A_32, %parallel_loop3A_157] : memref<16x2048xf32, #tpu.memory_space<vmem>>[vector<16xi32>, vector<16xi32>], vector<16xf32>,
        %parallel_loop3A_164 = arith.constant 1 : i32
        %parallel_loop3A_165 = arith.index_cast %parallel_loop3A_164 : i32 to index
        %parallel_loop3A_166 = arith.index_cast %parallel_loop3A_155 : i32 to index
        %parallel_loop3A_167 = tpu.vector_load %arg9[%parallel_loop3A_165, %parallel_loop3A_166] {strides = array<i32>} : memref<8x2048xf32, #tpu.memory_space<vmem>>, vector<16xf32>,
        tpu.vector_store %arg9[%parallel_loop3A_165, %parallel_loop3A_166], %parallel_loop3A_163 {strides = array<i32>} : memref<8x2048xf32, #tpu.memory_space<vmem>>, vector<16xf32>,
        %parallel_loop3A_168 = tpu.vector_load_idx %arg7[%broadcast_in_dim3A_34, %parallel_loop3A_157] : memref<16x2048xf32, #tpu.memory_space<vmem>>[vector<16xi32>, vector<16xi32>], vector<16xf32>,
        %parallel_loop3A_169 = arith.constant 2 : i32
        %parallel_loop3A_170 = arith.index_cast %parallel_loop3A_169 : i32 to index
        %parallel_loop3A_171 = arith.index_cast %parallel_loop3A_155 : i32 to index
        %parallel_loop3A_172 = tpu.vector_load %arg9[%parallel_loop3A_170, %parallel_loop3A_171] {strides = array<i32>} : memref<8x2048xf32, #tpu.memory_space<vmem>>, vector<16xf32>,
        tpu.vector_store %arg9[%parallel_loop3A_170, %parallel_loop3A_171], %parallel_loop3A_168 {strides = array<i32>} : memref<8x2048xf32, #tpu.memory_space<vmem>>, vector<16xf32>,
        %parallel_loop3A_173 = tpu.vector_load_idx %arg7[%broadcast_in_dim3A_36, %parallel_loop3A_157] : memref<16x2048xf32, #tpu.memory_space<vmem>>[vector<16xi32>, vector<16xi32>], vector<16xf32>,
        %parallel_loop3A_174 = arith.constant 3 : i32
        %parallel_loop3A_175 = arith.index_cast %parallel_loop3A_174 : i32 to index
        %parallel_loop3A_176 = arith.index_cast %parallel_loop3A_155 : i32 to index
        %parallel_loop3A_177 = tpu.vector_load %arg9[%parallel_loop3A_175, %parallel_loop3A_176] {strides = array<i32>} : memref<8x2048xf32, #tpu.memory_space<vmem>>, vector<16xf32>,
        tpu.vector_store %arg9[%parallel_loop3A_175, %parallel_loop3A_176], %parallel_loop3A_173 {strides = array<i32>} : memref<8x2048xf32, #tpu.memory_space<vmem>>, vector<16xf32>,
        %parallel_loop3A_178 = tpu.vector_load_idx %arg7[%broadcast_in_dim3A_38, %parallel_loop3A_157] : memref<16x2048xf32, #tpu.memory_space<vmem>>[vector<16xi32>, vector<16xi32>], vector<16xf32>,
        %parallel_loop3A_179 = arith.constant 4 : i32
        %parallel_loop3A_180 = arith.index_cast %parallel_loop3A_179 : i32 to index
        %parallel_loop3A_181 = arith.index_cast %parallel_loop3A_155 : i32 to index
        %parallel_loop3A_182 = tpu.vector_load %arg9[%parallel_loop3A_180, %parallel_loop3A_181] {strides = array<i32>} : memref<8x2048xf32, #tpu.memory_space<vmem>>, vector<16xf32>,
        tpu.vector_store %arg9[%parallel_loop3A_180, %parallel_loop3A_181], %parallel_loop3A_178 {strides = array<i32>} : memref<8x2048xf32, #tpu.memory_space<vmem>>, vector<16xf32>,
        %parallel_loop3A_183 = tpu.vector_load_idx %arg7[%broadcast_in_dim3A_40, %parallel_loop3A_157] : memref<16x2048xf32, #tpu.memory_space<vmem>>[vector<16xi32>, vector<16xi32>], vector<16xf32>,
        %parallel_loop3A_184 = arith.constant 5 : i32
        %parallel_loop3A_185 = arith.index_cast %parallel_loop3A_184 : i32 to index
        %parallel_loop3A_186 = arith.index_cast %parallel_loop3A_155 : i32 to index
        %parallel_loop3A_187 = tpu.vector_load %arg9[%parallel_loop3A_185, %parallel_loop3A_186] {strides = array<i32>} : memref<8x2048xf32, #tpu.memory_space<vmem>>, vector<16xf32>,
        tpu.vector_store %arg9[%parallel_loop3A_185, %parallel_loop3A_186], %parallel_loop3A_183 {strides = array<i32>} : memref<8x2048xf32, #tpu.memory_space<vmem>>, vector<16xf32>,
        %parallel_loop3A_188 = tpu.vector_load_idx %arg7[%broadcast_in_dim3A_42, %parallel_loop3A_157] : memref<16x2048xf32, #tpu.memory_space<vmem>>[vector<16xi32>, vector<16xi32>], vector<16xf32>,
        %parallel_loop3A_189 = arith.constant 6 : i32
        %parallel_loop3A_190 = arith.index_cast %parallel_loop3A_189 : i32 to index
        %parallel_loop3A_191 = arith.index_cast %parallel_loop3A_155 : i32 to index
        %parallel_loop3A_192 = tpu.vector_load %arg9[%parallel_loop3A_190, %parallel_loop3A_191] {strides = array<i32>} : memref<8x2048xf32, #tpu.memory_space<vmem>>, vector<16xf32>,
        tpu.vector_store %arg9[%parallel_loop3A_190, %parallel_loop3A_191], %parallel_loop3A_188 {strides = array<i32>} : memref<8x2048xf32, #tpu.memory_space<vmem>>, vector<16xf32>,
        %parallel_loop3A_193 = tpu.vector_load_idx %arg7[%broadcast_in_dim3A_44, %parallel_loop3A_157] : memref<16x2048xf32, #tpu.memory_space<vmem>>[vector<16xi32>, vector<16xi32>], vector<16xf32>,
        %parallel_loop3A_194 = arith.constant 7 : i32
        %parallel_loop3A_195 = arith.index_cast %parallel_loop3A_194 : i32 to index
        %parallel_loop3A_196 = arith.index_cast %parallel_loop3A_155 : i32 to index
        %parallel_loop3A_197 = tpu.vector_load %arg9[%parallel_loop3A_195, %parallel_loop3A_196] {strides = array<i32>} : memref<8x2048xf32, #tpu.memory_space<vmem>>, vector<16xf32>,
        tpu.vector_store %arg9[%parallel_loop3A_195, %parallel_loop3A_196], %parallel_loop3A_193 {strides = array<i32>} : memref<8x2048xf32, #tpu.memory_space<vmem>>, vector<16xf32>,
      } {sc.loop_unroll_factor = 8 : i64, sc.parallel_access}
      %dma_start3A_142 = arith.constant 0 : i32
      %dma_start3A_143 = tpu.memref_slice %arg4[%add3A_133, %dma_start3A_142] : memref<16384x2048xf32, #tpu.memory_space<hbm>> -> memref<8x2048xf32, #tpu.memory_space<hbm>>
      %dma_start3A_144 = arith.constant 0 : i32
      %dma_start3A_145 = tpu.memref_slice %arg4[%add3A_133, %dma_start3A_144] : memref<16384x2048xf32, #tpu.memory_space<hbm>> -> memref<8x2048xf32, #tpu.memory_space<hbm>>
      tpu.enqueue_dma source(%arg9 : memref<8x2048xf32, #tpu.memory_space<vmem>>) target(%dma_start3A_145 : memref<8x2048xf32, #tpu.memory_space<hbm>>) target_semaphore(%arg13 : memref<!tpu.dma_semaphore, #tpu.memory_space<semaphore_mem>>)
      %add3A_146 = arith.constant 2 : i32
      %add3A_147 = arith.addi %add3A_110, %add3A_146 : i32
      %lt3A_148 = arith.constant 32 : i32
      %lt3A_149 = arith.cmpi slt, %add3A_147, %lt3A_148 : i32
      %convert_element_type3A_150 = arith.extui %lt3A_149 : i1 to i32
      %cond3A_151 = arith.constant 0 : i32
      %cond3A_152 = arith.cmpi ne, %convert_element_type3A_150, %cond3A_151 : i32
      scf.if %cond3A_152 {
        %add3A_153 = arith.constant 32 : i32
        %add3A_154 = arith.addi %add3A_113, %add3A_153 : i32
        %dma_start3A_155 = arith.constant 0 : i32
        %dma_start3A_156 = tpu.memref_slice %arg2[%add3A_154, %dma_start3A_155] : memref<16384x2048xf32, #tpu.memory_space<hbm>> -> memref<16x2048xf32, #tpu.memory_space<hbm>>
        %dma_start3A_157 = arith.constant 0 : i32
        %dma_start3A_158 = tpu.memref_slice %arg2[%add3A_154, %dma_start3A_157] : memref<16384x2048xf32, #tpu.memory_space<hbm>> -> memref<16x2048xf32, #tpu.memory_space<hbm>>
        tpu.enqueue_dma source(%dma_start3A_158 : memref<16x2048xf32, #tpu.memory_space<hbm>>) target(%arg7 : memref<16x2048xf32, #tpu.memory_space<vmem>>) target_semaphore(%arg11 : memref<!tpu.dma_semaphore, #tpu.memory_space<semaphore_mem>>)
      } else {
      }
    }
    %scan3A_49 = arith.constant 16 : i32
    %add3A_50 = arith.constant 496 : i32
    %add3A_51 = arith.addi %mul3A_2, %add3A_50 : i32
    %add3A_52 = arith.constant 0 : i32
    %add3A_53 = arith.addi %add3A_51, %add3A_52 : i32
    %dma_wait3A = arith.constant 0 : i32
    %dma_wait3A_54 = tpu.memref_slice %arg4[%add3A_53, %dma_wait3A] : memref<16384x2048xf32, #tpu.memory_space<hbm>> -> memref<8x2048xf32, #tpu.memory_space<hbm>>
    %dma_wait3A_55 = arith.constant 0 : i32
    %dma_wait3A_56 = tpu.memref_slice %arg4[%add3A_53, %dma_wait3A_55] : memref<16384x2048xf32, #tpu.memory_space<hbm>> -> memref<8x2048xf32, #tpu.memory_space<hbm>>
    tpu.wait_dma2 semaphore(%arg12 : memref<!tpu.dma_semaphore, #tpu.memory_space<semaphore_mem>>) src(%arg8 : memref<8x2048xf32, #tpu.memory_space<vmem>>) dst(%dma_wait3A_56 : memref<8x2048xf32, #tpu.memory_space<hbm>>)
    %add3A_57 = arith.constant 496 : i32
    %add3A_58 = arith.addi %mul3A_2, %add3A_57 : i32
    %add3A_59 = arith.constant 8 : i32
    %add3A_60 = arith.addi %add3A_58, %add3A_59 : i32
    %dma_wait3A_61 = arith.constant 0 : i32
    %dma_wait3A_62 = tpu.memref_slice %arg4[%add3A_60, %dma_wait3A_61] : memref<16384x2048xf32, #tpu.memory_space<hbm>> -> memref<8x2048xf32, #tpu.memory_space<hbm>>
    %dma_wait3A_63 = arith.constant 0 : i32
    %dma_wait3A_64 = tpu.memref_slice %arg4[%add3A_60, %dma_wait3A_63] : memref<16384x2048xf32, #tpu.memory_space<hbm>> -> memref<8x2048xf32, #tpu.memory_space<hbm>>
    tpu.wait_dma2 semaphore(%arg13 : memref<!tpu.dma_semaphore, #tpu.memory_space<semaphore_mem>>) src(%arg9 : memref<8x2048xf32, #tpu.memory_space<vmem>>) dst(%dma_wait3A_64 : memref<8x2048xf32, #tpu.memory_space<hbm>>)
    return
  }
}

</mosaic_0001>

<sc_bundles>
// kernel: _permute.3.cloned.1.call-start
scs
__scs_entry_jumppad:
0x0: {  	(pc) =	sbr.rel $0x88, $3  }
0x1: {  	(tag) =	ssettag $0x0;
	lr =	simm.s32 $0x1  }
0x2: {  	[smem:$0x3F9F] =	sst lr;
	_ =	strace $0xD0000000  }
0x3: {  	_ = 	snop  }
0x4: {  	_ = 	snop  }
0x5: {  	_ = 	snop  }
0x6: {  	_ = 	snop  }
0x7: {  	_ = 	snop  }
__scs_overlays_trampoline_lowered:
0x8: {  	[smem:$0x3FAE] =	sst s0  }
0x9: {  	[smem:$0x3FAF] =	sst s1  }
0xa: {  	[smem:$0x3FB0] =	sst s2  }
0xb: {  	[smem:$0x3FB1] =	sst s3  }
0xc: {  	[smem:$0x3FB2] =	sst s4  }
0xd: {  	[smem:$0x3FB3] =	sst s5  }
0xe: {  	[smem:$0x3FB4] =	sst s6  }
0xf: {  	[smem:$0x3FB5] =	sst s7  }
0x10: {  	[smem:$0x3FB6] =	sst s8  }
0x11: {  	[smem:$0x3FB7] =	sst s9;
	s0 =	simm.s32 @!p0 $0x0  }
0x12: {  	s1 =	sld [smem:$0x3F9D];
	s0 =	simm.s32 @p0 $0x1  }
0x13: {  	[smem:$0x3FB8] =	sst s0;
	s0 =	simm.s32 @!p1 $0x0  }
0x14: {  	s2 =	sld [smem:$0x3F9C];
	s0 =	simm.s32 @p1 $0x1  }
0x15: {  	[smem:$0x3FB9] =	sst s0;
	s0 =	simm.s32 @!p2 $0x0  }
0x16: {  	s3 =	sld [smem:$0x3FDB];
	s0 =	simm.s32 @p2 $0x1  }
0x17: {  	s4 =	simm.s32 $0x1BF5;
	[smem:$0x3FBB] =	sst s0  }
0x18: {  	s0 =	sld [smem:$0x3F9E];
	_ =	swait.ge [sflag:s4], $0x0  }
0x19: {  	s7 =	sld [smem:$0x3F9F]  }
0x1a: {  	s8 =	sadd.s32 $0xFFFFE003, lr  }
0x1b: {  	s9 =	sadd.s32 $0xFFFFFEF7, lr;
	s5 =	simm.s32 $0xFFFFFFFF;
	p2 =	slt.u32 s8, $0xFFFFF086  }
0x1c: {  	p1 =	slt.u32 s9, $0xF7A;
	s5 =	simm.s32 @!p2 $0x0  }
0x1d: {  	s5 =	simm.s32 @p1 $0x1;
	p0 =	seq.s32 s7, s2  }
0x1e: {  	s7 =	smul.u32 @!p0 $0xF7A, s2;
	p2 =	seq.s32 @!p0 s5, $0x0  }
0x1f: {  	s9 =	smul.u32 $0xF7A, s1;
	s8 =	simm.s32 @!p0 $0x1BF5;
	p2 =	por !p2, p0  }
0x20: {  	[sflag:s8] =	ssyncset.s32 @!p0 $0xFFFFF086;
	s6 =	sadd.s32 @!p0 s3, s7;
	s7 =	simm.s32 @!p0 $0x108  }
0x21: {  	s3 =	sadd.s32 s3, s9;
	s6 =	sadd.s32 @!p0 $0x88, s6;
	s7 =	simm.s32 @p2 $0x1082  }
0x22: {  	[simem:s7], [sflag:s8] =	dma.local @!p0 [hbm:s6], $0xF7A  }
0x23: {  	s9 =	sor.u32 $0xD0000000, s2;
	s6 =	simm.s32 $0x108;
	_ =	swait.ge @!p0 [sflag:s8], $0x0  }
0x24: {  	s3 =	sadd.s32 $0x88, s3;
	s6 =	simm.s32 @!p1 $0x1082;
	[sflag:s4] =	ssyncset.s32 $0xFFFFF086  }
0x25: {  	[simem:s6], [sflag:s4] =	dma.local [hbm:s3], $0xF7A  }
0x26: {  	[smem:$0x3F9F] =	sst s1;
	(tag) =	ssettag s2;
	_ =	strace s9  }
0x27: {  	s1 =	sld [smem:$0x3FAF]  }
0x28: {  	s2 =	sld [smem:$0x3FB0]  }
0x29: {  	s4 =	sld [smem:$0x3FB2]  }
0x2a: {  	p0 =	seq.s32 s5, $0x0;
	s5 =	sld [smem:$0x3FB3]  }
0x2b: {  	s6 =	sld [smem:$0x3FB4]  }
0x2c: {  	s7 =	sld [smem:$0x3FB5]  }
0x2d: {  	s3 =	simm.s32 $0x108;
	s8 =	sld [smem:$0x3FB6]  }
0x2e: {  	s3 =	simm.s32 @!p0 $0x1082;
	s9 =	sld [smem:$0x3FB7]  }
0x2f: {  	lr =	sadd.s32 s0, s3;
	s0 =	sld [smem:$0x3FAE]  }
0x30: {  	s3 =	sld [smem:$0x3FB1]  }
0x31: {  	[smem:$0x3FBA] =	sst s10  }
0x32: {  	s10 =	sld [smem:$0x3FB8];
	_ =	sdelay $0x3  }
0x33: {  	p0 =	seq.s32 s10, $0x1;
	s10 =	sld [smem:$0x3FBA];
	_ =	sdelay $0x3  }
0x34: {  	[smem:$0x3FBA] =	sst s10  }
0x35: {  	s10 =	sld [smem:$0x3FB9];
	_ =	sdelay $0x3  }
0x36: {  	p1 =	seq.s32 s10, $0x1;
	s10 =	sld [smem:$0x3FBA];
	_ =	sdelay $0x3  }
0x37: {  	[smem:$0x3FBA] =	sst s10  }
0x38: {  	s10 =	sld [smem:$0x3FBB]  }
0x39: {  	_ = 	snop;
	(pc) =	sbr.ind lr, $3  }
0x3a: {  	_ = 	snop  }
0x3b: {  	_ = 	snop  }
0x3c: {  	p2 =	seq.s32 s10, $0x1;
	s10 =	sld [smem:$0x3FBA]  }
0x3d: {  	_ =	shalt  }
0x3e: {  	_ =	shalt  }
0x3f: {  	_ =	shalt  }
0x40: {  	_ =	shalt  }
0x41: {  	_ =	shalt  }
0x42: {  	_ =	shalt  }
0x43: {  	_ =	shalt  }
0x44: {  	_ =	shalt  }
0x45: {  	_ =	shalt  }
0x46: {  	_ =	shalt  }
0x47: {  	_ =	shalt  }
0x48: {  	_ =	shalt  }
0x49: {  	_ =	shalt  }
0x4a: {  	_ =	shalt  }
0x4b: {  	_ =	shalt  }
0x4c: {  	_ =	shalt  }
0x4d: {  	_ =	shalt  }
0x4e: {  	_ =	shalt  }
0x4f: {  	_ =	shalt  }
0x50: {  	_ =	shalt  }
0x51: {  	_ =	shalt  }
0x52: {  	_ =	shalt  }
0x53: {  	_ =	shalt  }
0x54: {  	_ =	shalt  }
0x55: {  	_ =	shalt  }
0x56: {  	_ =	shalt  }
0x57: {  	_ =	shalt  }
0x58: {  	_ =	shalt  }
0x59: {  	_ =	shalt  }
0x5a: {  	_ =	shalt  }
0x5b: {  	_ =	shalt  }
0x5c: {  	_ =	shalt  }
0x5d: {  	_ =	shalt  }
0x5e: {  	_ =	shalt  }
0x5f: {  	_ =	shalt  }
0x60: {  	_ =	shalt  }
0x61: {  	_ =	shalt  }
0x62: {  	_ =	shalt  }
0x63: {  	_ =	shalt  }
0x64: {  	_ =	shalt  }
0x65: {  	_ =	shalt  }
0x66: {  	_ =	shalt  }
0x67: {  	_ =	shalt  }
0x68: {  	_ =	shalt  }
0x69: {  	_ =	shalt  }
0x6a: {  	_ =	shalt  }
0x6b: {  	_ =	shalt  }
0x6c: {  	_ =	shalt  }
0x6d: {  	_ =	shalt  }
0x6e: {  	_ =	shalt  }
0x6f: {  	_ =	shalt  }
0x70: {  	_ =	shalt  }
0x71: {  	_ =	shalt  }
0x72: {  	_ =	shalt  }
0x73: {  	_ =	shalt  }
0x74: {  	_ =	shalt  }
0x75: {  	_ =	shalt  }
0x76: {  	_ =	shalt  }
0x77: {  	_ =	shalt  }
0x78: {  	_ =	shalt  }
0x79: {  	_ =	shalt  }
0x7a: {  	_ =	shalt  }
0x7b: {  	_ =	shalt  }
0x7c: {  	_ =	shalt  }
0x7d: {  	_ =	shalt  }
0x7e: {  	_ =	shalt  }
0x7f: {  	_ =	shalt  }
0x80: {  	_ =	shalt  }
0x81: {  	_ =	shalt  }
0x82: {  	_ =	shalt  }
0x83: {  	_ =	shalt  }
0x84: {  	_ =	shalt  }
0x85: {  	_ =	shalt  }
0x86: {  	_ =	shalt  }
0x87: {  	_ =	shalt  }
.Lfunc_end0:
.L_simem_size_0:
called_computation_lowered:
.L_overlay_start_0:
0x88: {  	s2 =	sld [smem:$0x3FD9]  }
0x89: {  	s3 =	sld [smem:$0x3FFE];
	_ =	sdelay $0x1  }
0x8a: {  	s1 =	srdreg.scid  }
0x8b: {  	s0 =	sand.u32 $0x1, s1  }
0x8c: {  	s18 =	sshll.u32 s0, $0xA;
	s2 =	sadd.s32 s3, s2  }
0x8d: {  	s2 =	sadd.s32 s2, s18  }
0x8e: {  	[smem:$0x3FC6] =	sst s2  }
0x8f: {  	_ = 	snop  }
0x90: {  	s2 =	sld [smem:$0x3FC9]  }
0x91: {  	s19 =	sld [smem:$0x3FC8]  }
0x92: {  	s4 =	sld [smem:$0x3FD0];
	(tm) =	ssettm $0x1  }
0x93: {  	s5 =	sld [smem:$0x3FFB];
	_ =	sdelay $0x3  }
0x94: {  	_ =	strace s5  }
0x95: {  	s5 =	sld [smem:$0x3FFC];
	_ =	sdelay $0x3  }
0x96: {  	_ =	strace s5  }
0x97: {  	s5 =	sld [smem:$0x3FFD];
	_ =	sdelay $0x3  }
0x98: {  	_ =	strace s5  }
0x99: {  	_ =	strace $0x8FFFFFFF  }
0x9a: {  	s20 =	sld [smem:$0x3FDB];
	_ =	sdelay $0x1  }
0x9b: {  	s6 =	simm.s32 $_scs_section_size  }
0x9c: {  	s7 =	simm.s32 $_size__tile_overlayer_lowered;
	s8 =	simm.s32 $_tile_overlayer_lowered  }
0x9d: {  	s23 =	simm.s32 $0x1BFF;
	s22 =	sshll.u32 s8, $0x1;
	s5 =	sadd.s32 s6, s20  }
0x9e: {  	s9 =	simm.s32 $0x0;
	s21 =	sshll.u32 s7, $0x1;
	s7 =	sadd.s32 s22, s5  }
0x9f: {  	[timem:s9], [sflag:s23] =	dma.local [hbm:s7], s21  }
0xa0: {  	_ =	swait.ge [sflag:s23], s21  }
0xa1: {  	s6 =	ssub.s32 $0x0, s21;
	[sflag:s23] =	ssyncset.done $0x0  }
0xa2: {  	[sflag:s23] =	ssyncadd.s32 s6;
	_ =	sdelay $0x1  }
0xa3: {  	s24 =	simm.s32 $0x1B8B  }
0xa4: {  	_ =	swait.ge [sflag:s24], $0x1  }
0xa5: {  	[sflag:s24] =	ssyncset.done $0x0  }
0xa6: {  	s25 =	simm.s32 $0x1B8E;
	[sflag:s24] =	ssyncadd.s32 $0xFFFFFFFF  }
0xa7: {  	s26 =	simm.s32 $execute0_lowered;
	[smem:$0x3FD2] =	sst s25  }
0xa8: {  	s6 =	sshll.u32 s26, $0x1;
	_ =	strace $0x80000046;
	[dreg:$0x1] =	wrdreg $0xFFFFFFFF  }
0xa9: {  	s28 =	simm.s32 $_size_execute0_lowered;
	s5 =	sadd.s32 s5, s6;
	[dreg:$0x0] =	wrdreg $0x0  }
0xaa: {  	s6 =	sshll.u32 s28, $0x1;
	[dreg:$0x2] =	wrdreg s5  }
0xab: {  	[dreg:$0x3] =	wrdreg s6  }
0xac: {  	[dreg:$0x4] =	wrdreg $0xC0  }
0xad: {  	_ =	task [dreg:s9], $0x5FFFF  }
0xae: {  	[dreg:$0x1] =	wrdreg $0xFFFFFFFF  }
0xaf: {  	[dreg:$0x0] =	wrdreg $0x60  }
0xb0: {  	[dreg:$0x2] =	wrdreg s2  }
0xb1: {  	[dreg:$0x3] =	wrdreg s19  }
0xb2: {  	[dreg:$0x4] =	wrdreg s4  }
0xb3: {  	[dreg:$0x5] =	wrdreg $0x9  }
0xb4: {  	_ =	task.clear_ibuf [dreg:s9], $0x6FFFF;
	_ =	strace $0x90000046  }
0xb5: {  	s29 =	simm.s32 $0x9;
	_ =	strace $0x80000048  }
0xb6: {  	_ =	swait.ge [sflag:s29], $0x1  }
0xb7: {  	[sflag:s29] =	ssyncadd.s32 $0xFFFFFFFF  }
0xb8: {  	_ =	strace $0x90000048  }
0xb9: {  	_ =	sfence  }
0xba: {  	s30 =	sld [smem:$0x0];
	_ =	sdelay $0x2  }
0xbb: {  	s31 =	sshll.u32 s1, $0xD;
	s1 =	sshrl.u32 s1, $0x2  }
0xbc: {  	s3 =	sand.u32 $0x4000, s31;
	s1 =	sadd.s32 s1, s30  }
0xbd: {  	s0 =	sor.u32 s3, s0;
	s1 =	sshll.u32 s1, $0x11  }
0xbe: {  	s0 =	sor.u32 s1, s0  }
0xbf: {  	s0 =	sadd.s32 $0x8F2B, s0  }
0xc0: {  	[sflag:s0] =	ssyncadd.remote.s32 $0x1  }
0xc1: {  	_ =	sfence.sel $0xFFFF  }
0xc2: {  	[dreg:$0x0] =	wrdreg $0xFFFFFFFF;
	(pc) =	sbr.abs _section_cstart, $3  }
0xc3: {  	[dreg:$0x1] =	wrdreg $0xFFFFFFFF  }
0xc4: {  	_ =	task.clear_ibuf [dreg:s9], $0x2FFFF;
	_ =	strace $0x9FFFFFFF  }
0xc5: {  	(tm) =	ssettm $0x7FFFFFFF  }
tec
execute0_lowered:
.L_overlay_start_1:
0x0: {  	(tag) =	ssettag $0x1  }
0x1: {  	s9 =	rddreg [dreg:$0x0]  }
0x2: {  	s2 =	rddreg [dreg:$0x1]  }
0x3: {  	s3 =	rddreg [dreg:$0x2]  }
0x4: {  	s4 =	srdreg.scid;
	s0 =	rddreg [dreg:$0x3]  }
0x5: {  	s1 =	stileid.u32;
	s11 =	simm.s32 $0x800;
	s12 =	simm.s32 $0x8800  }
0x6: {  	s13 =	simm.s32 $0x5;
	s14 =	simm.s32 $0x1;
	s15 =	simm.s32 $0x10800  }
0x7: {  	s16 =	simm.s32 $0x14800;
	s17 =	simm.s32 $0x2;
	s18 =	simm.s32 $0x3  }
0x8: {  	s19 =	simm.s32 $0x4;
	s20 =	simm.s32 $0x0;
	s5 =	sand.u32 $0x1, s4  }
.Ltmp0:
0x9: {  	s4 =	simm.s32 $0x0;
	s6 =	sshll.u32 s1, $0x12;
	(pc) =	sbr.rel .LBB2_1-.Ltmp0, $4  }
0xa: {  	s7 =	sshll.u32 s5, $0x11;
	[smem:$0x7FF] =	sst s4;
	s8 =	ssub.s32 $0x2, s5  }
0xb: {  	s5 =	sor.u32 s7, s6;
	_ =	strace $0x80000047;
	s31 =	sshrl.u32 s8, $0x1  }
0xc: {  	s6 =	sadd.s32 s9, s5;
	s10 =	ssub.s32 s8, s31;
	s8 =	sadd.s32 $0x800, s3  }
0xd: {  	s9 =	sadd.s32 $0x2000, s9;
	s7 =	sadd.s32 $0x1000, s6;
	s10 =	smax.u32 s10, $0x1  }
.LBB2_12:
0xe: {  	s20 =	sadd.s32 $0x1, s20  }
0xf: {  	_ =	swait.ge [sflag:s18], $0x4000;
	p0 =	sne.s32 s20, s10  }
.Ltmp1:
0x10: {  	[sflag:s18] =	ssyncset.done $0x0;
	(pc) =	sbr.rel @!p0 .LBB2_13-.Ltmp1, $4  }
0x11: {  	[sflag:s18] =	ssyncadd.s32 $0xFFFFC000  }
0x12: {  	_ =	swait.ge [sflag:s19], $0x4000  }
0x13: {  	[sflag:s19] =	ssyncset.done $0x0  }
0x14: {  	[sflag:s19] =	ssyncadd.s32 $0xFFFFC000  }
.LBB2_1:
0x15: {  	[tilespmem:s4], [sflag:$0x5] =	stream.linear.gather [hbm4b:s2+s4], $0x800, $0x38;
	[tilespmem:$0x18800] =	vst v63  }
0x16: {  	_ = 	snop  }
0x17: {  	[tilespmem:s11], [sflag:$0x1] =	stream.linear.gather [hbm4b:s6+s4], $0x8000, $0x38;
	[tilespmem:$0x18800] =	vst v63  }
0x18: {  	_ = 	snop  }
0x19: {  	[tilespmem:s12], [sflag:$0x2] =	stream.linear.gather [hbm4b:s7+s4], $0x8000, $0x38;
	[tilespmem:$0x18800] =	vst v63  }
0x1a: {  	_ =	swait.ge [sflag:s13], $0x800  }
0x1b: {  	[sflag:s13] =	ssyncset.done $0x0  }
0x1c: {  	s21 =	simm.s32 $0x0;
	[sflag:s13] =	ssyncadd.s32 $0xFFFFF800  }
.LBB2_2:
0x1d: {  	_ =	swait.ge [sflag:s14], $0x8000  }
0x1e: {  	p0 =	seq.s32 s21, $0x0;
	[sflag:s14] =	ssyncset.done $0x0  }
0x1f: {  	s22 =	simm.s32 @!p0 $0x3;
	[sflag:s14] =	ssyncadd.s32 $0xFFFF8000  }
0x20: {  	_ =	swait.ge @!p0 [sflag:s22], $0x4000  }
0x21: {  	[sflag:s22] =	ssyncset.done @!p0 $0x0  }
0x22: {  	s31 =	simm.s32 $0x40;
	[sflag:s22] =	ssyncadd.s32 @!p0 $0xFFFFC000  }
0x23: {  	v0 =	vld [tilespmem:s31+$0x30];
	_ =	sdelay $0x3  }
0x24: {  	v1 =	vld [tilespmem:s31+$0xFFFFFFD0]  }
0x25: {  	v2 =	vshll.u32 v0, $0x3  }
0x26: {  	v3 =	vld [tilespmem:s31+$0xFFFFFFE0];
	v0 =	vand.u32 $0x7F, v0;
	v2 =	vand.u32 $0xFFFFFC00, v2  }
0x27: {  	v5 =	vld [tilespmem:s31+$0xFFFFFFC0];
	v4 =	vor.u32 v0, v2;
	_ =	sdelay $0x1  }
0x28: {  	v2 =	vld [tilespmem:s31+$0xFFFFFFF0];
	v0 =	vshll.u32 v1, $0x3  }
0x29: {  	v7 =	vld [tilespmem:s31+$0x10];
	v1 =	vand.u32 $0x7F, v1;
	v8 =	vand.u32 $0xFFFFFC00, v0  }
0x2a: {  	v6 =	vld [tilespmem:s31+$0x0];
	v0 =	vshll.u32 v3, $0x3;
	v1 =	vor.u32 v1, v8  }
0x2b: {  	v11 =	vor.u32 $0x80, v4;
	v9 =	vand.u32 $0xFFFFFC00, v0;
	v0 =	vshll.u32 v5, $0x3;
	v10 =	vld.idx.msk [tilespmem:v4+s11+$0x0], $0xffff  }
0x2c: {  	v12 =	vld [tilespmem:s31+$0x20];
	v3 =	vand.u32 $0x7F, v3;
	v5 =	vand.u32 $0x7F, v5;
	v0 =	vand.u32 $0xFFFFFC00, v0  }
0x2d: {  	v0 =	vor.u32 v5, v0;
	v13 =	vshll.u32 v2, $0x3;
	v8 =	vand.u32 $0x7F, v2  }
0x2e: {  	v2 =	vor.u32 v3, v9;
	v9 =	vshll.u32 v7, $0x3;
	v5 =	vand.u32 $0xFFFFFC00, v13  }
0x2f: {  	s22 =	simm.s32 $0x10A00;
	v13 =	vshll.u32 v6, $0x3;
	v3 =	vor.u32 v8, v5;
	v5 =	vand.u32 $0xFFFFFC00, v9;
	v9 =	vld.idx.msk [tilespmem:v1+s11+$0x0], $0xffff  }
0x30: {  	v15 =	vor.u32 $0x80, v1;
	v6 =	vand.u32 $0x7F, v6;
	v13 =	vand.u32 $0xFFFFFC00, v13;
	[tilespmem:s22+$0xFFFFFE70] =	vst v10  }
0x31: {  	v7 =	vand.u32 $0x7F, v7;
	v8 =	vshll.u32 v12, $0x3;
	v10 =	vor.u32 v6, v13;
	v6 =	vld.idx.msk [tilespmem:v11+s11+$0x0], $0xffff  }
0x32: {  	v11 =	vor.u32 v7, v5;
	v5 =	vld.idx.msk [tilespmem:v0+s11+$0x0], $0xffff;
	v7 =	vand.u32 $0xFFFFFC00, v8;
	v8 =	vand.u32 $0x7F, v12  }
0x33: {  	v13 =	vor.u32 $0x100, v4;
	v12 =	vor.u32 v8, v7;
	v7 =	vld.idx.msk [tilespmem:v2+s11+$0x0], $0xffff  }
0x34: {  	v8 =	vor.u32 $0x80, v0;
	v14 =	vld.idx.msk [tilespmem:v3+s11+$0x0], $0xffff;
	[tilespmem:s22+$0xFFFFFE10] =	vst v9  }
0x35: {  	v15 =	vld.idx.msk [tilespmem:v15+s11+$0x0], $0xffff  }
0x36: {  	v17 =	vor.u32 $0x80, v2;
	v16 =	vld.idx.msk [tilespmem:v10+s11+$0x0], $0xffff  }
0x37: {  	v18 =	vld.idx.msk [tilespmem:v11+s11+$0x0], $0xffff;
	[tilespmem:s22+$0xFFFFFEF0] =	vst v6;
	v6 =	vor.u32 $0x80, v3  }
0x38: {  	[tilespmem:s22+$0xFFFFFE00] =	vst v5;
	v5 =	vld.idx.msk [tilespmem:v13+s11+$0x0], $0xffff;
	v13 =	vor.u32 $0x80, v10  }
0x39: {  	v19 =	vor.u32 $0x80, v11;
	v8 =	vld.idx.msk [tilespmem:v8+s11+$0x0], $0xffff;
	[tilespmem:s22+$0xFFFFFE20] =	vst v7  }
0x3a: {  	v9 =	vld.idx.msk [tilespmem:v12+s11+$0x0], $0xffff;
	v7 =	vor.u32 $0x180, v4;
	[tilespmem:s22+$0xFFFFFE30] =	vst v14  }
0x3b: {  	v14 =	vor.u32 $0x80, v12;
	v17 =	vld.idx.msk [tilespmem:v17+s11+$0x0], $0xffff;
	[tilespmem:s22+$0xFFFFFE40] =	vst v16  }
0x3c: {  	v16 =	vor.u32 $0x100, v0;
	v6 =	vld.idx.msk [tilespmem:v6+s11+$0x0], $0xffff;
	[tilespmem:s22+$0xFFFFFE50] =	vst v18  }
0x3d: {  	v18 =	vor.u32 $0x100, v1;
	v13 =	vld.idx.msk [tilespmem:v13+s11+$0x0], $0xffff;
	[tilespmem:s22+$0xFFFFFF70] =	vst v5  }
0x3e: {  	v5 =	vor.u32 $0x100, v2;
	[tilespmem:s22+$0xFFFFFE80] =	vst v8;
	v8 =	vld.idx.msk [tilespmem:v19+s11+$0x0], $0xffff  }
0x3f: {  	[tilespmem:s22+$0xFFFFFE60] =	vst v9;
	v9 =	vor.u32 $0x100, v3;
	v7 =	vld.idx.msk [tilespmem:v7+s11+$0x0], $0xffff  }
0x40: {  	[tilespmem:s22+$0xFFFFFE90] =	vst v15;
	v19 =	vor.u32 $0x100, v10;
	v14 =	vld.idx.msk [tilespmem:v14+s11+$0x0], $0xffff  }
0x41: {  	[tilespmem:s22+$0xFFFFFEA0] =	vst v17;
	v17 =	vor.u32 $0x100, v11;
	v16 =	vld.idx.msk [tilespmem:v16+s11+$0x0], $0xffff  }
0x42: {  	v15 =	vor.u32 $0x200, v4;
	v18 =	vld.idx.msk [tilespmem:v18+s11+$0x0], $0xffff;
	[tilespmem:s22+$0xFFFFFEB0] =	vst v6  }
0x43: {  	v6 =	vor.u32 $0x100, v12;
	v5 =	vld.idx.msk [tilespmem:v5+s11+$0x0], $0xffff;
	[tilespmem:s22+$0xFFFFFEC0] =	vst v13  }
0x44: {  	v13 =	vor.u32 $0x180, v0;
	v9 =	vld.idx.msk [tilespmem:v9+s11+$0x0], $0xffff;
	[tilespmem:s22+$0xFFFFFED0] =	vst v8  }
0x45: {  	[tilespmem:s22+$0xFFFFFFF0] =	vst v7;
	v7 =	vor.u32 $0x180, v1;
	v19 =	vld.idx.msk [tilespmem:v19+s11+$0x0], $0xffff  }
0x46: {  	[tilespmem:s22+$0xFFFFFEE0] =	vst v14;
	v14 =	vld.idx.msk [tilespmem:v17+s11+$0x0], $0xffff;
	v17 =	vor.u32 $0x180, v3  }
0x47: {  	v8 =	vld.idx.msk [tilespmem:v15+s11+$0x0], $0xffff;
	v15 =	vor.u32 $0x180, v2;
	[tilespmem:s22+$0xFFFFFF00] =	vst v16  }
0x48: {  	v16 =	vor.u32 $0x280, v4;
	[tilespmem:s22+$0xFFFFFF10] =	vst v18;
	v6 =	vld.idx.msk [tilespmem:v6+s11+$0x0], $0xffff  }
0x49: {  	v18 =	vor.u32 $0x180, v10;
	v13 =	vld.idx.msk [tilespmem:v13+s11+$0x0], $0xffff;
	[tilespmem:s22+$0xFFFFFF20] =	vst v5  }
0x4a: {  	v5 =	vor.u32 $0x180, v11;
	[tilespmem:s22+$0xFFFFFF30] =	vst v9;
	v7 =	vld.idx.msk [tilespmem:v7+s11+$0x0], $0xffff  }
0x4b: {  	v9 =	vor.u32 $0x180, v12;
	[tilespmem:s22+$0xFFFFFF40] =	vst v19;
	v17 =	vld.idx.msk [tilespmem:v17+s11+$0x0], $0xffff  }
0x4c: {  	v15 =	vld.idx.msk [tilespmem:v15+s11+$0x0], $0xffff;
	[tilespmem:s22+$0x70] =	vst v8;
	v8 =	vor.u32 $0x200, v0  }
0x4d: {  	v19 =	vor.u32 $0x200, v1;
	[tilespmem:s22+$0xFFFFFF50] =	vst v14;
	v16 =	vld.idx.msk [tilespmem:v16+s11+$0x0], $0xffff  }
0x4e: {  	v14 =	vld.idx.msk [tilespmem:v18+s11+$0x0], $0xffff;
	[tilespmem:s22+$0xFFFFFF60] =	vst v6;
	v6 =	vor.u32 $0x300, v4  }
0x4f: {  	v18 =	vor.u32 $0x200, v2;
	[tilespmem:s22+$0xFFFFFF80] =	vst v13;
	v5 =	vld.idx.msk [tilespmem:v5+s11+$0x0], $0xffff  }
0x50: {  	v13 =	vor.u32 $0x200, v3;
	[tilespmem:s22+$0xFFFFFF90] =	vst v7;
	v7 =	vld.idx.msk [tilespmem:v9+s11+$0x0], $0xffff  }
0x51: {  	v9 =	vor.u32 $0x200, v10;
	v8 =	vld.idx.msk [tilespmem:v8+s11+$0x0], $0xffff;
	[tilespmem:s22+$0xFFFFFFA0] =	vst v15  }
0x52: {  	v15 =	vor.u32 $0x200, v11;
	v19 =	vld.idx.msk [tilespmem:v19+s11+$0x0], $0xffff;
	[tilespmem:s22+$0xF0] =	vst v16  }
0x53: {  	[tilespmem:s22+$0xFFFFFFB0] =	vst v17;
	v16 =	vor.u32 $0x200, v12;
	v6 =	vld.idx.msk [tilespmem:v6+s11+$0x0], $0xffff  }
0x54: {  	v17 =	vor.u32 $0x280, v0;
	v18 =	vld.idx.msk [tilespmem:v18+s11+$0x0], $0xffff;
	[tilespmem:s22+$0xFFFFFFC0] =	vst v14  }
0x55: {  	v4 =	vor.u32 $0x380, v4;
	v13 =	vld.idx.msk [tilespmem:v13+s11+$0x0], $0xffff;
	[tilespmem:s22+$0xFFFFFFD0] =	vst v5  }
0x56: {  	v5 =	vor.u32 $0x280, v1;
	v9 =	vld.idx.msk [tilespmem:v9+s11+$0x0], $0xffff;
	[tilespmem:s22+$0xFFFFFFE0] =	vst v7  }
0x57: {  	v7 =	vor.u32 $0x280, v2;
	[tilespmem:s22+$0x0] =	vst v8;
	v8 =	vld.idx.msk [tilespmem:v15+s11+$0x0], $0xffff  }
0x58: {  	v14 =	vor.u32 $0x280, v3;
	[tilespmem:s22+$0x10] =	vst v19;
	v15 =	vld.idx.msk [tilespmem:v16+s11+$0x0], $0xffff  }
0x59: {  	v16 =	vor.u32 $0x280, v10;
	v17 =	vld.idx.msk [tilespmem:v17+s11+$0x0], $0xffff;
	[tilespmem:s22+$0x170] =	vst v6  }
0x5a: {  	v6 =	vor.u32 $0x280, v11;
	[tilespmem:s22+$0x20] =	vst v18;
	v4 =	vld.idx.msk [tilespmem:v4+s11+$0x0], $0xffff  }
0x5b: {  	v18 =	vor.u32 $0x280, v12;
	v5 =	vld.idx.msk [tilespmem:v5+s11+$0x0], $0xffff;
	[tilespmem:s22+$0x30] =	vst v13  }
0x5c: {  	v13 =	vor.u32 $0x300, v0;
	v7 =	vld.idx.msk [tilespmem:v7+s11+$0x0], $0xffff;
	[tilespmem:s22+$0x40] =	vst v9  }
0x5d: {  	v9 =	vor.u32 $0x300, v1;
	v19 =	vld.idx.msk [tilespmem:v14+s11+$0x0], $0xffff;
	[tilespmem:s22+$0x50] =	vst v8  }
0x5e: {  	v20 =	vor.u32 $0x300, v2;
	v21 =	vld.idx.msk [tilespmem:v16+s11+$0x0], $0xffff;
	[tilespmem:s22+$0x60] =	vst v15  }
0x5f: {  	v22 =	vor.u32 $0x300, v3;
	[tilespmem:s22+$0x80] =	vst v17;
	v17 =	vld.idx.msk [tilespmem:v6+s11+$0x0], $0xffff  }
0x60: {  	v23 =	vor.u32 $0x300, v10;
	v15 =	vld.idx.msk [tilespmem:v18+s11+$0x0], $0xffff;
	[tilespmem:s22+$0x1F0] =	vst v4  }
0x61: {  	v14 =	vld.idx.msk [tilespmem:v13+s11+$0x0], $0xffff;
	[tilespmem:s22+$0x90] =	vst v5  }
0x62: {  	v13 =	vld.idx.msk [tilespmem:v9+s11+$0x0], $0xffff;
	[tilespmem:s22+$0xA0] =	vst v7  }
0x63: {  	v8 =	vor.u32 $0x300, v11;
	v6 =	vor.u32 $0x380, v1;
	v1 =	vor.u32 $0x380, v11;
	[tilespmem:s22+$0xB0] =	vst v19;
	v16 =	vld.idx.msk [tilespmem:v20+s11+$0x0], $0xffff  }
0x64: {  	v5 =	vor.u32 $0x380, v2;
	v4 =	vor.u32 $0x380, v3;
	v2 =	vor.u32 $0x380, v10;
	v3 =	vld.idx.msk [tilespmem:v22+s11+$0x0], $0xffff;
	[tilespmem:s22+$0xC0] =	vst v21  }
0x65: {  	s24 =	simm.s32 $0x0;
	s25 =	simm.s32 $0xC0;
	s23 =	simm.s32 $0x10A00;
	v7 =	vor.u32 $0x380, v0;
	v9 =	vor.u32 $0x300, v12;
	v0 =	vor.u32 $0x380, v12;
	v10 =	vld.idx.msk [tilespmem:v23+s11+$0x0], $0xffff;
	[tilespmem:s22+$0xD0] =	vst v17  }
.LBB2_3:
0x66: {  	v11 =	vld [tilespmem:s25+$0x30];
	s24 =	sadd.s32 $0x8, s24;
	[tilespmem:s22+$0xE0] =	vst v15  }
0x67: {  	v12 =	vld [tilespmem:s25+$0xFFFFFFD0];
	p1 =	slt.u32 s24, $0x78;
	[tilespmem:s22+$0x100] =	vst v14  }
0x68: {  	v14 =	vld [tilespmem:s25+$0xFFFFFFE0];
	[tilespmem:s22+$0x110] =	vst v13  }
0x69: {  	v13 =	vld [tilespmem:s25+$0xFFFFFFF0];
	[tilespmem:s22+$0x120] =	vst v16  }
0x6a: {  	v15 =	vld [tilespmem:s25+$0x0];
	[tilespmem:s22+$0x130] =	vst v3  }
0x6b: {  	v16 =	vld [tilespmem:s25+$0x10];
	v3 =	vshll.u32 v11, $0x3;
	[tilespmem:s22+$0x140] =	vst v10  }
0x6c: {  	v11 =	vand.u32 $0x7F, v11;
	v10 =	vshll.u32 v12, $0x3;
	v17 =	vld [tilespmem:s25+$0x20];
	v3 =	vand.u32 $0xFFFFFC00, v3  }
0x6d: {  	v18 =	vld [tilespmem:s25+$0xFFFFFFC0];
	v10 =	vand.u32 $0xFFFFFC00, v10;
	v19 =	vshll.u32 v14, $0x3;
	v3 =	vor.u32 v11, v3  }
0x6e: {  	v11 =	vand.u32 $0x7F, v12;
	v12 =	vand.u32 $0xFFFFFC00, v19;
	v19 =	vshll.u32 v13, $0x3;
	v8 =	vld.idx.msk [tilespmem:v8+s11+$0x0], $0xffff  }
0x6f: {  	v14 =	vand.u32 $0x7F, v14;
	v19 =	vand.u32 $0xFFFFFC00, v19;
	v20 =	vshll.u32 v15, $0x3;
	v9 =	vld.idx.msk [tilespmem:v9+s11+$0x0], $0xffff  }
0x70: {  	v13 =	vand.u32 $0x7F, v13;
	v20 =	vand.u32 $0xFFFFFC00, v20;
	v21 =	vshll.u32 v16, $0x3;
	v7 =	vld.idx.msk [tilespmem:v7+s11+$0x0], $0xffff  }
0x71: {  	v15 =	vand.u32 $0x7F, v15;
	v21 =	vand.u32 $0xFFFFFC00, v21;
	v22 =	vshll.u32 v17, $0x3;
	v6 =	vld.idx.msk [tilespmem:v6+s11+$0x0], $0xffff  }
0x72: {  	v23 =	vand.u32 $0x7F, v18;
	v18 =	vshll.u32 v18, $0x3;
	v22 =	vand.u32 $0xFFFFFC00, v22;
	v24 =	vld.idx.msk [tilespmem:v3+s11+$0x0], $0xffff  }
0x73: {  	v16 =	vand.u32 $0x7F, v16;
	v17 =	vand.u32 $0x7F, v17;
	v18 =	vand.u32 $0xFFFFFC00, v18;
	v5 =	vld.idx.msk [tilespmem:v5+s11+$0x0], $0xffff  }
0x74: {  	v25 =	vor.u32 v11, v10;
	v10 =	vor.u32 $0x80, v3;
	v23 =	vor.u32 v23, v18;
	v4 =	vld.idx.msk [tilespmem:v4+s11+$0x0], $0xffff;
	[tilespmem:s22+$0x150] =	vst v8  }
0x75: {  	v26 =	vor.u32 v14, v12;
	v27 =	vor.u32 v13, v19;
	v28 =	vor.u32 v15, v20;
	[tilespmem:s22+$0x160] =	vst v9  }
0x76: {  	v21 =	vor.u32 v16, v21;
	v22 =	vor.u32 v17, v22;
	v8 =	vor.u32 $0x80, v23;
	[tilespmem:s22+$0x180] =	vst v7;
	v2 =	vld.idx.msk [tilespmem:v2+s11+$0x0], $0xffff  }
0x77: {  	v29 =	vor.u32 $0x80, v27;
	v9 =	vor.u32 $0x80, v26;
	v7 =	vor.u32 $0x80, v25;
	s22 =	sadd.s32 $0x400, s22;
	[tilespmem:s23+$0x190] =	vst v6;
	v1 =	vld.idx.msk [tilespmem:v1+s11+$0x0], $0xffff  }
0x78: {  	v30 =	vor.u32 $0x80, v28;
	v31 =	vor.u32 $0x80, v21;
	v32 =	vor.u32 $0x80, v22;
	[tilespmem:s22+$0xFFFFFE70] =	vst v24;
	v0 =	vld.idx.msk [tilespmem:v0+s11+$0x0], $0xffff  }
0x79: {  	v33 =	vor.u32 $0x100, v25;
	v34 =	vor.u32 $0x100, v26;
	v24 =	vor.u32 $0x100, v23;
	v6 =	vld.idx.msk [tilespmem:v10+s11+$0x0], $0xffff;
	[tilespmem:s23+$0x1A0] =	vst v5  }
0x7a: {  	v35 =	vor.u32 $0x100, v27;
	v36 =	vor.u32 $0x100, v28;
	v37 =	vor.u32 $0x100, v21;
	v5 =	vld.idx.msk [tilespmem:v23+s11+$0x0], $0xffff;
	[tilespmem:s23+$0x1B0] =	vst v4  }
0x7b: {  	v39 =	vor.u32 $0x100, v22;
	v38 =	vor.u32 $0x180, v23;
	v10 =	vor.u32 $0x100, v3;
	v4 =	vld.idx.msk [tilespmem:v25+s11+$0x0], $0xffff  }
0x7c: {  	v40 =	vor.u32 $0x180, v25;
	v41 =	vor.u32 $0x180, v26;
	v42 =	vor.u32 $0x180, v27;
	v11 =	vld.idx.msk [tilespmem:v26+s11+$0x0], $0xffff;
	[tilespmem:s23+$0x1C0] =	vst v2  }
0x7d: {  	v43 =	vor.u32 $0x180, v28;
	v44 =	vor.u32 $0x180, v21;
	v45 =	vor.u32 $0x180, v22;
	v2 =	vld.idx.msk [tilespmem:v27+s11+$0x0], $0xffff;
	[tilespmem:s23+$0x1D0] =	vst v1  }
0x7e: {  	v47 =	vor.u32 $0x200, v25;
	v48 =	vor.u32 $0x200, v26;
	v46 =	vor.u32 $0x200, v23;
	v1 =	vld.idx.msk [tilespmem:v28+s11+$0x0], $0xffff;
	[tilespmem:s23+$0x1E0] =	vst v0;
	s23 =	smov.u32 s22  }
0x7f: {  	v49 =	vor.u32 $0x200, v27;
	v50 =	vor.u32 $0x200, v28;
	v51 =	vor.u32 $0x200, v21;
	v0 =	vld.idx.msk [tilespmem:v21+s11+$0x0], $0xffff;
	[tilespmem:s22+$0xFFFFFEF0] =	vst v6  }
0x80: {  	v18 =	vor.u32 $0x280, v25;
	v53 =	vor.u32 $0x200, v22;
	v52 =	vor.u32 $0x280, v23;
	[tilespmem:s22+$0xFFFFFE00] =	vst v5;
	v54 =	vld.idx.msk [tilespmem:v10+s11+$0x0], $0xffff  }
0x81: {  	v20 =	vor.u32 $0x280, v26;
	v19 =	vor.u32 $0x280, v27;
	v15 =	vor.u32 $0x280, v28;
	[tilespmem:s22+$0xFFFFFE10] =	vst v4;
	v55 =	vld.idx.msk [tilespmem:v22+s11+$0x0], $0xffff  }
0x82: {  	v57 =	vor.u32 $0x180, v3;
	v17 =	vor.u32 $0x280, v21;
	v16 =	vor.u32 $0x280, v22;
	v56 =	vld.idx.msk [tilespmem:v8+s11+$0x0], $0xffff;
	[tilespmem:s22+$0xFFFFFE20] =	vst v11  }
0x83: {  	v13 =	vor.u32 $0x300, v25;
	v14 =	vor.u32 $0x300, v23;
	v10 =	vor.u32 $0x300, v26;
	v58 =	vld.idx.msk [tilespmem:v7+s11+$0x0], $0xffff;
	[tilespmem:s22+$0xFFFFFE30] =	vst v2  }
0x84: {  	v12 =	vor.u32 $0x300, v27;
	v11 =	vor.u32 $0x300, v28;
	v8 =	vor.u32 $0x300, v21;
	v59 =	vld.idx.msk [tilespmem:v9+s11+$0x0], $0xffff;
	[tilespmem:s22+$0xFFFFFE40] =	vst v1  }
0x85: {  	v6 =	vor.u32 $0x380, v25;
	v7 =	vor.u32 $0x380, v23;
	v9 =	vor.u32 $0x300, v22;
	v23 =	vld.idx.msk [tilespmem:v29+s11+$0x0], $0xffff;
	[tilespmem:s22+$0xFFFFFE50] =	vst v0  }
0x86: {  	v5 =	vor.u32 $0x380, v26;
	v4 =	vor.u32 $0x380, v27;
	v2 =	vor.u32 $0x380, v28;
	v25 =	vld.idx.msk [tilespmem:v30+s11+$0x0], $0xffff;
	[tilespmem:s22+$0xFFFFFF70] =	vst v54  }
0x87: {  	v1 =	vor.u32 $0x380, v21;
	v0 =	vor.u32 $0x380, v22;
	[tilespmem:s22+$0xFFFFFE60] =	vst v55;
	v21 =	vld.idx.msk [tilespmem:v57+s11+$0x0], $0xffff  }
0x88: {  	[tilespmem:s22+$0xFFFFFE80] =	vst v56;
	v22 =	vld.idx.msk [tilespmem:v31+s11+$0x0], $0xffff  }
0x89: {  	v27 =	vor.u32 $0x200, v3;
	[tilespmem:s22+$0xFFFFFE90] =	vst v58;
	v26 =	vld.idx.msk [tilespmem:v32+s11+$0x0], $0xffff  }
0x8a: {  	v24 =	vld.idx.msk [tilespmem:v24+s11+$0x0], $0xffff;
	[tilespmem:s22+$0xFFFFFEA0] =	vst v59  }
0x8b: {  	v28 =	vld.idx.msk [tilespmem:v33+s11+$0x0], $0xffff;
	[tilespmem:s22+$0xFFFFFEB0] =	vst v23  }
0x8c: {  	v23 =	vld.idx.msk [tilespmem:v34+s11+$0x0], $0xffff;
	[tilespmem:s22+$0xFFFFFEC0] =	vst v25  }
0x8d: {  	v25 =	vld.idx.msk [tilespmem:v35+s11+$0x0], $0xffff;
	[tilespmem:s22+$0xFFFFFFF0] =	vst v21  }
0x8e: {  	[tilespmem:s22+$0xFFFFFED0] =	vst v22;
	v21 =	vld.idx.msk [tilespmem:v27+s11+$0x0], $0xffff  }
0x8f: {  	v22 =	vld.idx.msk [tilespmem:v36+s11+$0x0], $0xffff;
	[tilespmem:s22+$0xFFFFFEE0] =	vst v26  }
0x90: {  	v26 =	vor.u32 $0x280, v3;
	[tilespmem:s22+$0xFFFFFF00] =	vst v24;
	v24 =	vld.idx.msk [tilespmem:v37+s11+$0x0], $0xffff  }
0x91: {  	[tilespmem:s22+$0xFFFFFF10] =	vst v28;
	v27 =	vld.idx.msk [tilespmem:v39+s11+$0x0], $0xffff  }
0x92: {  	v28 =	vld.idx.msk [tilespmem:v38+s11+$0x0], $0xffff;
	[tilespmem:s22+$0xFFFFFF20] =	vst v23  }
0x93: {  	v23 =	vld.idx.msk [tilespmem:v40+s11+$0x0], $0xffff;
	[tilespmem:s22+$0xFFFFFF30] =	vst v25  }
0x94: {  	v25 =	vld.idx.msk [tilespmem:v41+s11+$0x0], $0xffff;
	[tilespmem:s22+$0x70] =	vst v21  }
0x95: {  	[tilespmem:s22+$0xFFFFFF40] =	vst v22;
	v21 =	vld.idx.msk [tilespmem:v26+s11+$0x0], $0xffff  }
0x96: {  	v22 =	vld.idx.msk [tilespmem:v42+s11+$0x0], $0xffff;
	[tilespmem:s22+$0xFFFFFF50] =	vst v24  }
0x97: {  	v26 =	vor.u32 $0x300, v3;
	v24 =	vld.idx.msk [tilespmem:v43+s11+$0x0], $0xffff;
	[tilespmem:s22+$0xFFFFFF60] =	vst v27  }
0x98: {  	[tilespmem:s22+$0xFFFFFF80] =	vst v28;
	v27 =	vld.idx.msk [tilespmem:v44+s11+$0x0], $0xffff  }
0x99: {  	[tilespmem:s22+$0xFFFFFF90] =	vst v23;
	v23 =	vld.idx.msk [tilespmem:v45+s11+$0x0], $0xffff  }
0x9a: {  	v28 =	vld.idx.msk [tilespmem:v46+s11+$0x0], $0xffff;
	[tilespmem:s22+$0xFFFFFFA0] =	vst v25  }
0x9b: {  	v25 =	vld.idx.msk [tilespmem:v47+s11+$0x0], $0xffff;
	[tilespmem:s22+$0xF0] =	vst v21  }
0x9c: {  	[tilespmem:s22+$0xFFFFFFB0] =	vst v22;
	v21 =	vld.idx.msk [tilespmem:v26+s11+$0x0], $0xffff  }
0x9d: {  	v22 =	vld.idx.msk [tilespmem:v48+s11+$0x0], $0xffff;
	[tilespmem:s22+$0xFFFFFFC0] =	vst v24  }
0x9e: {  	v3 =	vor.u32 $0x380, v3;
	v24 =	vld.idx.msk [tilespmem:v49+s11+$0x0], $0xffff;
	[tilespmem:s22+$0xFFFFFFD0] =	vst v27  }
0x9f: {  	v26 =	vld.idx.msk [tilespmem:v50+s11+$0x0], $0xffff;
	[tilespmem:s22+$0xFFFFFFE0] =	vst v23  }
0xa0: {  	[tilespmem:s22+$0x0] =	vst v28;
	v23 =	vld.idx.msk [tilespmem:v51+s11+$0x0], $0xffff  }
0xa1: {  	[tilespmem:s22+$0x10] =	vst v25;
	v25 =	vld.idx.msk [tilespmem:v53+s11+$0x0], $0xffff  }
0xa2: {  	v27 =	vld.idx.msk [tilespmem:v52+s11+$0x0], $0xffff;
	[tilespmem:s22+$0x170] =	vst v21  }
0xa3: {  	[tilespmem:s22+$0x20] =	vst v22;
	v3 =	vld.idx.msk [tilespmem:v3+s11+$0x0], $0xffff  }
0xa4: {  	v18 =	vld.idx.msk [tilespmem:v18+s11+$0x0], $0xffff;
	[tilespmem:s22+$0x30] =	vst v24  }
0xa5: {  	v20 =	vld.idx.msk [tilespmem:v20+s11+$0x0], $0xffff;
	[tilespmem:s22+$0x40] =	vst v26  }
0xa6: {  	v19 =	vld.idx.msk [tilespmem:v19+s11+$0x0], $0xffff;
	[tilespmem:s22+$0x50] =	vst v23  }
0xa7: {  	v21 =	vld.idx.msk [tilespmem:v15+s11+$0x0], $0xffff;
	[tilespmem:s22+$0x60] =	vst v25  }
0xa8: {  	[tilespmem:s22+$0x80] =	vst v27;
	v17 =	vld.idx.msk [tilespmem:v17+s11+$0x0], $0xffff  }
0xa9: {  	v15 =	vld.idx.msk [tilespmem:v16+s11+$0x0], $0xffff;
	[tilespmem:s22+$0x1F0] =	vst v3  }
.Ltmp2:
0xaa: {  	v14 =	vld.idx.msk [tilespmem:v14+s11+$0x0], $0xffff;
	[tilespmem:s22+$0x90] =	vst v18;
	(pc) =	sbr.rel @p1 .LBB2_3-.Ltmp2, $4  }
0xab: {  	v13 =	vld.idx.msk [tilespmem:v13+s11+$0x0], $0xffff;
	[tilespmem:s22+$0xA0] =	vst v20  }
0xac: {  	v16 =	vld.idx.msk [tilespmem:v10+s11+$0x0], $0xffff;
	[tilespmem:s22+$0xB0] =	vst v19  }
0xad: {  	v3 =	vld.idx.msk [tilespmem:v12+s11+$0x0], $0xffff;
	[tilespmem:s22+$0xC0] =	vst v21  }
0xae: {  	s25 =	sadd.s32 $0x80, s25;
	v10 =	vld.idx.msk [tilespmem:v11+s11+$0x0], $0xffff;
	[tilespmem:s22+$0xD0] =	vst v17  }
0xaf: {  	_ =	sdelay $0x2  }
0xb0: {  	[tilespmem:s22+$0xE0] =	vst v15  }
0xb1: {  	[tilespmem:s22+$0x100] =	vst v14;
	v8 =	vld.idx.msk [tilespmem:v8+s11+$0x0], $0xffff  }
0xb2: {  	[tilespmem:s22+$0x110] =	vst v13;
	v9 =	vld.idx.msk [tilespmem:v9+s11+$0x0], $0xffff  }
0xb3: {  	v7 =	vld.idx.msk [tilespmem:v7+s11+$0x0], $0xffff;
	[tilespmem:s22+$0x120] =	vst v16  }
0xb4: {  	[tilespmem:s22+$0x130] =	vst v3;
	v3 =	vld.idx.msk [tilespmem:v6+s11+$0x0], $0xffff  }
0xb5: {  	v5 =	vld.idx.msk [tilespmem:v5+s11+$0x0], $0xffff;
	[tilespmem:s22+$0x140] =	vst v10  }
0xb6: {  	v4 =	vld.idx.msk [tilespmem:v4+s11+$0x0], $0xffff;
	[tilespmem:s22+$0x150] =	vst v8  }
0xb7: {  	v2 =	vld.idx.msk [tilespmem:v2+s11+$0x0], $0xffff;
	[tilespmem:s22+$0x160] =	vst v9  }
0xb8: {  	[tilespmem:s22+$0x180] =	vst v7;
	v1 =	vld.idx.msk [tilespmem:v1+s11+$0x0], $0xffff  }
0xb9: {  	v0 =	vld.idx.msk [tilespmem:v0+s11+$0x0], $0xffff;
	[tilespmem:s23+$0x190] =	vst v3  }
0xba: {  	[tilespmem:s23+$0x1A0] =	vst v5  }
0xbb: {  	[tilespmem:s23+$0x1B0] =	vst v4  }
0xbc: {  	s29 =	sshll.u32 s21, $0xD;
	[tilespmem:s23+$0x1C0] =	vst v2  }
0xbd: {  	s22 =	sor.u32 s5, s29;
	[tilespmem:s23+$0x1D0] =	vst v1  }
0xbe: {  	s30 =	sadd.s32 s3, s22;
	[tilespmem:s23+$0x1E0] =	vst v0;
	s23 =	simm.s32 @!p0 $0x4  }
0xbf: {  	[hbm4b:s30+s4] =	stream.linear.scatter [tilespmem:s15], [sflag:$0x3], $0x4000, $0x38;
	[tilespmem:$0x18800] =	vst v63  }
0xc0: {  	_ =	swait.ge @!p0 [sflag:s23], $0x4000  }
0xc1: {  	[sflag:s23] =	ssyncset.done @!p0 $0x0  }
0xc2: {  	s31 =	simm.s32 $0x40;
	[sflag:s23] =	ssyncadd.s32 @!p0 $0xFFFFC000  }
0xc3: {  	v0 =	vld [tilespmem:s31+$0x30];
	_ =	sdelay $0x1  }
0xc4: {  	v2 =	vld [tilespmem:s31+$0xFFFFFFE0]  }
0xc5: {  	v3 =	vld [tilespmem:s31+$0xFFFFFFF0]  }
0xc6: {  	v6 =	vld [tilespmem:s31+$0x0]  }
0xc7: {  	v7 =	vld [tilespmem:s31+$0xFFFFFFC0];
	v4 =	vshll.u32 v0, $0x3  }
0xc8: {  	v8 =	vld [tilespmem:s31+$0x10];
	v0 =	vand.u32 $0x7F, v0;
	v4 =	vand.u32 $0xFFFFFC00, v4  }
0xc9: {  	v5 =	vor.u32 v0, v4  }
0xca: {  	v1 =	vld [tilespmem:s31+$0xFFFFFFD0];
	v0 =	vadd.s32 $0x4000, v5  }
0xcb: {  	v9 =	vshll.u32 v2, $0x3;
	v10 =	vshll.u32 v3, $0x3;
	v12 =	vshll.u32 v6, $0x3  }
0xcc: {  	v2 =	vand.u32 $0x7F, v2;
	v13 =	vshll.u32 v7, $0x3;
	v7 =	vand.u32 $0x7F, v7  }
0xcd: {  	v15 =	vshll.u32 v8, $0x3;
	v3 =	vand.u32 $0x7F, v3;
	v8 =	vand.u32 $0x7F, v8  }
0xce: {  	v11 =	vld [tilespmem:s31+$0x20];
	v9 =	vand.u32 $0xFFFFFC00, v9;
	v10 =	vand.u32 $0xFFFFFC00, v10;
	v12 =	vand.u32 $0xFFFFFC00, v12  }
0xcf: {  	v13 =	vand.u32 $0xFFFFFC00, v13;
	v15 =	vand.u32 $0xFFFFFC00, v15;
	v4 =	vshll.u32 v1, $0x3;
	v14 =	vld.idx.msk [tilespmem:v0+s11+$0x0], $0xffff  }
0xd0: {  	v1 =	vand.u32 $0x7F, v1;
	v0 =	vor.u32 v7, v13;
	v7 =	vadd.s32 $0x4080, v5  }
0xd1: {  	v3 =	vor.u32 v3, v10;
	v4 =	vand.u32 $0xFFFFFC00, v4;
	v13 =	vadd.s32 $0x4000, v0  }
0xd2: {  	v2 =	vor.u32 v2, v9;
	v16 =	vadd.s32 $0x4000, v3;
	v1 =	vor.u32 v1, v4  }
0xd3: {  	s23 =	simm.s32 $0x14A00;
	v10 =	vshll.u32 v11, $0x3;
	v4 =	vand.u32 $0x7F, v6;
	v9 =	vadd.s32 $0x4000, v1  }
0xd4: {  	v11 =	vand.u32 $0x7F, v11;
	v6 =	vadd.s32 $0x4000, v2;
	v4 =	vor.u32 v4, v12;
	[tilespmem:s23+$0xFFFFFE70] =	vst v14  }
0xd5: {  	v10 =	vand.u32 $0xFFFFFC00, v10;
	v12 =	vor.u32 v8, v15;
	v14 =	vadd.s32 $0x4000, v4;
	v7 =	vld.idx.msk [tilespmem:v7+s11+$0x0], $0xffff  }
0xd6: {  	v8 =	vld.idx.msk [tilespmem:v13+s11+$0x0], $0xffff;
	v13 =	vor.u32 v11, v10;
	v10 =	vadd.s32 $0x4000, v12  }
0xd7: {  	v15 =	vadd.s32 $0x4100, v5;
	v16 =	vld.idx.msk [tilespmem:v16+s11+$0x0], $0xffff  }
0xd8: {  	v9 =	vld.idx.msk [tilespmem:v9+s11+$0x0], $0xffff;
	v11 =	vadd.s32 $0x4000, v13  }
0xd9: {  	v6 =	vld.idx.msk [tilespmem:v6+s11+$0x0], $0xffff;
	v17 =	vadd.s32 $0x4080, v0  }
0xda: {  	v19 =	vadd.s32 $0x4080, v3;
	v14 =	vld.idx.msk [tilespmem:v14+s11+$0x0], $0xffff;
	[tilespmem:s23+$0xFFFFFEF0] =	vst v7  }
0xdb: {  	v18 =	vadd.s32 $0x4080, v1;
	[tilespmem:s23+$0xFFFFFE00] =	vst v8;
	v8 =	vld.idx.msk [tilespmem:v10+s11+$0x0], $0xffff  }
0xdc: {  	[tilespmem:s23+$0xFFFFFE30] =	vst v16;
	v7 =	vadd.s32 $0x4080, v2;
	v15 =	vld.idx.msk [tilespmem:v15+s11+$0x0], $0xffff  }
0xdd: {  	[tilespmem:s23+$0xFFFFFE10] =	vst v9;
	v9 =	vld.idx.msk [tilespmem:v11+s11+$0x0], $0xffff;
	v11 =	vadd.s32 $0x4080, v4  }
0xde: {  	[tilespmem:s23+$0xFFFFFE20] =	vst v6;
	v6 =	vadd.s32 $0x4080, v12;
	v17 =	vld.idx.msk [tilespmem:v17+s11+$0x0], $0xffff  }
0xdf: {  	v19 =	vld.idx.msk [tilespmem:v19+s11+$0x0], $0xffff;
	v10 =	vadd.s32 $0x4180, v5  }
0xe0: {  	v16 =	vadd.s32 $0x4080, v13;
	v18 =	vld.idx.msk [tilespmem:v18+s11+$0x0], $0xffff;
	[tilespmem:s23+$0xFFFFFE40] =	vst v14  }
0xe1: {  	v14 =	vadd.s32 $0x4100, v0;
	v7 =	vld.idx.msk [tilespmem:v7+s11+$0x0], $0xffff;
	[tilespmem:s23+$0xFFFFFE50] =	vst v8  }
0xe2: {  	[tilespmem:s23+$0xFFFFFF70] =	vst v15;
	v15 =	vadd.s32 $0x4100, v1;
	v11 =	vld.idx.msk [tilespmem:v11+s11+$0x0], $0xffff  }
0xe3: {  	[tilespmem:s23+$0xFFFFFE80] =	vst v17;
	v6 =	vld.idx.msk [tilespmem:v6+s11+$0x0], $0xffff;
	v17 =	vadd.s32 $0x4100, v3  }
0xe4: {  	[tilespmem:s23+$0xFFFFFE60] =	vst v9;
	v8 =	vld.idx.msk [tilespmem:v10+s11+$0x0], $0xffff;
	v10 =	vadd.s32 $0x4100, v2  }
0xe5: {  	[tilespmem:s23+$0xFFFFFE90] =	vst v18;
	v18 =	vadd.s32 $0x4100, v4;
	v16 =	vld.idx.msk [tilespmem:v16+s11+$0x0], $0xffff  }
0xe6: {  	[tilespmem:s23+$0xFFFFFEB0] =	vst v19;
	v9 =	vadd.s32 $0x4200, v5;
	v14 =	vld.idx.msk [tilespmem:v14+s11+$0x0], $0xffff  }
0xe7: {  	[tilespmem:s23+$0xFFFFFEA0] =	vst v7;
	v7 =	vadd.s32 $0x4100, v12;
	v15 =	vld.idx.msk [tilespmem:v15+s11+$0x0], $0xffff  }
0xe8: {  	v19 =	vadd.s32 $0x4100, v13;
	[tilespmem:s23+$0xFFFFFEC0] =	vst v11;
	v17 =	vld.idx.msk [tilespmem:v17+s11+$0x0], $0xffff  }
0xe9: {  	v10 =	vld.idx.msk [tilespmem:v10+s11+$0x0], $0xffff;
	[tilespmem:s23+$0xFFFFFFF0] =	vst v8;
	v8 =	vadd.s32 $0x4180, v0  }
0xea: {  	v11 =	vadd.s32 $0x4180, v1;
	[tilespmem:s23+$0xFFFFFED0] =	vst v6;
	v6 =	vld.idx.msk [tilespmem:v18+s11+$0x0], $0xffff  }
0xeb: {  	[tilespmem:s23+$0xFFFFFEE0] =	vst v16;
	v18 =	vadd.s32 $0x4180, v2;
	v9 =	vld.idx.msk [tilespmem:v9+s11+$0x0], $0xffff  }
0xec: {  	v16 =	vadd.s32 $0x4280, v5;
	[tilespmem:s23+$0xFFFFFF00] =	vst v14;
	v7 =	vld.idx.msk [tilespmem:v7+s11+$0x0], $0xffff  }
0xed: {  	v14 =	vadd.s32 $0x4180, v3;
	[tilespmem:s23+$0xFFFFFF10] =	vst v15;
	v15 =	vld.idx.msk [tilespmem:v19+s11+$0x0], $0xffff  }
0xee: {  	v19 =	vadd.s32 $0x4180, v4;
	[tilespmem:s23+$0xFFFFFF30] =	vst v17;
	v8 =	vld.idx.msk [tilespmem:v8+s11+$0x0], $0xffff  }
0xef: {  	[tilespmem:s23+$0xFFFFFF20] =	vst v10;
	v10 =	vadd.s32 $0x4180, v12;
	v11 =	vld.idx.msk [tilespmem:v11+s11+$0x0], $0xffff  }
0xf0: {  	[tilespmem:s23+$0x70] =	vst v9;
	v9 =	vadd.s32 $0x4180, v13;
	v18 =	vld.idx.msk [tilespmem:v18+s11+$0x0], $0xffff  }
0xf1: {  	v17 =	vadd.s32 $0x4200, v0;
	[tilespmem:s23+$0xFFFFFF40] =	vst v6;
	v16 =	vld.idx.msk [tilespmem:v16+s11+$0x0], $0xffff  }
0xf2: {  	v6 =	vld.idx.msk [tilespmem:v14+s11+$0x0], $0xffff;
	v14 =	vadd.s32 $0x4200, v1;
	[tilespmem:s23+$0xFFFFFF50] =	vst v7  }
0xf3: {  	v7 =	vadd.s32 $0x4300, v5;
	v19 =	vld.idx.msk [tilespmem:v19+s11+$0x0], $0xffff;
	[tilespmem:s23+$0xFFFFFF60] =	vst v15  }
0xf4: {  	v15 =	vadd.s32 $0x4200, v2;
	[tilespmem:s23+$0xFFFFFF80] =	vst v8;
	v8 =	vld.idx.msk [tilespmem:v10+s11+$0x0], $0xffff  }
0xf5: {  	v10 =	vadd.s32 $0x4200, v3;
	[tilespmem:s23+$0xFFFFFF90] =	vst v11;
	v9 =	vld.idx.msk [tilespmem:v9+s11+$0x0], $0xffff  }
0xf6: {  	v11 =	vadd.s32 $0x4200, v4;
	v17 =	vld.idx.msk [tilespmem:v17+s11+$0x0], $0xffff;
	[tilespmem:s23+$0xFFFFFFA0] =	vst v18  }
0xf7: {  	[tilespmem:s23+$0xF0] =	vst v16;
	v16 =	vadd.s32 $0x4200, v12;
	v14 =	vld.idx.msk [tilespmem:v14+s11+$0x0], $0xffff  }
0xf8: {  	v18 =	vadd.s32 $0x4200, v13;
	[tilespmem:s23+$0xFFFFFFB0] =	vst v6;
	v7 =	vld.idx.msk [tilespmem:v7+s11+$0x0], $0xffff  }
0xf9: {  	v5 =	vadd.s32 $0x4380, v5;
	v6 =	vld.idx.msk [tilespmem:v15+s11+$0x0], $0xffff;
	[tilespmem:s23+$0xFFFFFFC0] =	vst v19  }
0xfa: {  	v15 =	vadd.s32 $0x4280, v0;
	v10 =	vld.idx.msk [tilespmem:v10+s11+$0x0], $0xffff;
	[tilespmem:s23+$0xFFFFFFD0] =	vst v8  }
0xfb: {  	v8 =	vadd.s32 $0x4280, v1;
	v11 =	vld.idx.msk [tilespmem:v11+s11+$0x0], $0xffff;
	[tilespmem:s23+$0xFFFFFFE0] =	vst v9  }
0xfc: {  	v9 =	vadd.s32 $0x4280, v2;
	[tilespmem:s23+$0x0] =	vst v17;
	v16 =	vld.idx.msk [tilespmem:v16+s11+$0x0], $0xffff  }
0xfd: {  	v17 =	vadd.s32 $0x4280, v3;
	v18 =	vld.idx.msk [tilespmem:v18+s11+$0x0], $0xffff;
	[tilespmem:s23+$0x170] =	vst v7  }
0xfe: {  	[tilespmem:s23+$0x10] =	vst v14;
	v7 =	vadd.s32 $0x4280, v4;
	v5 =	vld.idx.msk [tilespmem:v5+s11+$0x0], $0xffff  }
0xff: {  	v14 =	vadd.s32 $0x4280, v12;
	v15 =	vld.idx.msk [tilespmem:v15+s11+$0x0], $0xffff;
	[tilespmem:s23+$0x20] =	vst v6  }
0x100: {  	v6 =	vadd.s32 $0x4280, v13;
	v19 =	vld.idx.msk [tilespmem:v8+s11+$0x0], $0xffff;
	[tilespmem:s23+$0x30] =	vst v10  }
0x101: {  	v20 =	vadd.s32 $0x4300, v0;
	[tilespmem:s23+$0x40] =	vst v11;
	v21 =	vld.idx.msk [tilespmem:v9+s11+$0x0], $0xffff  }
0x102: {  	v22 =	vadd.s32 $0x4300, v1;
	v23 =	vld.idx.msk [tilespmem:v17+s11+$0x0], $0xffff;
	[tilespmem:s23+$0x50] =	vst v16  }
0x103: {  	v24 =	vadd.s32 $0x4300, v2;
	[tilespmem:s23+$0x60] =	vst v18;
	v16 =	vld.idx.msk [tilespmem:v7+s11+$0x0], $0xffff  }
0x104: {  	v17 =	vld.idx.msk [tilespmem:v14+s11+$0x0], $0xffff;
	[tilespmem:s23+$0x1F0] =	vst v5  }
0x105: {  	v11 =	vadd.s32 $0x4300, v3;
	v10 =	vadd.s32 $0x4300, v4;
	[tilespmem:s23+$0x80] =	vst v15;
	v15 =	vld.idx.msk [tilespmem:v6+s11+$0x0], $0xffff  }
0x106: {  	v8 =	vadd.s32 $0x4300, v13;
	v3 =	vadd.s32 $0x4380, v3;
	v9 =	vadd.s32 $0x4300, v12;
	v18 =	vld.idx.msk [tilespmem:v20+s11+$0x0], $0xffff;
	[tilespmem:s23+$0x90] =	vst v19  }
0x107: {  	v7 =	vadd.s32 $0x4380, v0;
	v0 =	vadd.s32 $0x4380, v13;
	v6 =	vadd.s32 $0x4380, v1;
	v14 =	vld.idx.msk [tilespmem:v22+s11+$0x0], $0xffff;
	[tilespmem:s23+$0xA0] =	vst v21  }
0x108: {  	s25 =	simm.s32 $0x0;
	s26 =	simm.s32 $0xC0;
	s24 =	simm.s32 $0x14A00;
	v5 =	vadd.s32 $0x4380, v2;
	v2 =	vadd.s32 $0x4380, v4;
	v1 =	vadd.s32 $0x4380, v12;
	[tilespmem:s23+$0xB0] =	vst v23;
	v4 =	vld.idx.msk [tilespmem:v24+s11+$0x0], $0xffff  }
.LBB2_5:
0x109: {  	v12 =	vld [tilespmem:s26+$0x30];
	s25 =	sadd.s32 $0x8, s25;
	[tilespmem:s23+$0xC0] =	vst v16  }
0x10a: {  	v13 =	vld [tilespmem:s26+$0xFFFFFFD0];
	p0 =	slt.u32 s25, $0x78;
	[tilespmem:s23+$0xD0] =	vst v17  }
0x10b: {  	v16 =	vld [tilespmem:s26+$0xFFFFFFE0];
	[tilespmem:s23+$0xE0] =	vst v15  }
0x10c: {  	v15 =	vld [tilespmem:s26+$0xFFFFFFF0];
	[tilespmem:s23+$0x100] =	vst v18  }
0x10d: {  	v17 =	vld [tilespmem:s26+$0x0];
	[tilespmem:s23+$0x110] =	vst v14  }
0x10e: {  	v14 =	vld [tilespmem:s26+$0x10];
	v18 =	vshll.u32 v12, $0x3;
	[tilespmem:s23+$0x120] =	vst v4  }
0x10f: {  	v12 =	vand.u32 $0x7F, v12;
	v4 =	vshll.u32 v13, $0x3;
	v19 =	vld [tilespmem:s26+$0x20];
	v18 =	vand.u32 $0xFFFFFC00, v18  }
0x110: {  	v20 =	vld [tilespmem:s26+$0xFFFFFFC0];
	v21 =	vand.u32 $0xFFFFFC00, v4;
	v22 =	vshll.u32 v16, $0x3;
	v4 =	vor.u32 v12, v18  }
0x111: {  	v12 =	vand.u32 $0xFFFFFC00, v22;
	v18 =	vshll.u32 v15, $0x3;
	v22 =	vadd.s32 $0x4000, v4;
	v11 =	vld.idx.msk [tilespmem:v11+s11+$0x0], $0xffff  }
0x112: {  	v13 =	vand.u32 $0x7F, v13;
	v18 =	vand.u32 $0xFFFFFC00, v18;
	v23 =	vshll.u32 v17, $0x3;
	v10 =	vld.idx.msk [tilespmem:v10+s11+$0x0], $0xffff  }
0x113: {  	v16 =	vand.u32 $0x7F, v16;
	v23 =	vand.u32 $0xFFFFFC00, v23;
	v24 =	vshll.u32 v14, $0x3;
	v9 =	vld.idx.msk [tilespmem:v9+s11+$0x0], $0xffff  }
0x114: {  	v15 =	vand.u32 $0x7F, v15;
	v24 =	vand.u32 $0xFFFFFC00, v24;
	v25 =	vshll.u32 v19, $0x3;
	v8 =	vld.idx.msk [tilespmem:v8+s11+$0x0], $0xffff  }
0x115: {  	v26 =	vand.u32 $0x7F, v20;
	v20 =	vshll.u32 v20, $0x3;
	v25 =	vand.u32 $0xFFFFFC00, v25;
	v7 =	vld.idx.msk [tilespmem:v7+s11+$0x0], $0xffff  }
0x116: {  	v17 =	vand.u32 $0x7F, v17;
	v14 =	vand.u32 $0x7F, v14;
	v20 =	vand.u32 $0xFFFFFC00, v20;
	v22 =	vld.idx.msk [tilespmem:v22+s11+$0x0], $0xffff  }
0x117: {  	v21 =	vor.u32 v13, v21;
	v13 =	vand.u32 $0x7F, v19;
	v20 =	vor.u32 v26, v20;
	v6 =	vld.idx.msk [tilespmem:v6+s11+$0x0], $0xffff;
	[tilespmem:s23+$0x130] =	vst v11  }
0x118: {  	v18 =	vor.u32 v15, v18;
	v19 =	vor.u32 v16, v12;
	v11 =	vadd.s32 $0x4080, v4;
	v5 =	vld.idx.msk [tilespmem:v5+s11+$0x0], $0xffff;
	[tilespmem:s23+$0x140] =	vst v10  }
0x119: {  	v23 =	vor.u32 v17, v23;
	v24 =	vor.u32 v14, v24;
	v25 =	vor.u32 v13, v25;
	[tilespmem:s23+$0x150] =	vst v9  }
0x11a: {  	v12 =	vadd.s32 $0x4000, v19;
	v10 =	vadd.s32 $0x4000, v21;
	v9 =	vadd.s32 $0x4000, v20;
	v3 =	vld.idx.msk [tilespmem:v3+s11+$0x0], $0xffff;
	[tilespmem:s23+$0x160] =	vst v8  }
0x11b: {  	v13 =	vadd.s32 $0x4000, v23;
	v14 =	vadd.s32 $0x4000, v24;
	v8 =	vadd.s32 $0x4000, v18;
	s23 =	sadd.s32 $0x400, s23;
	[tilespmem:s24+$0x180] =	vst v7;
	v2 =	vld.idx.msk [tilespmem:v2+s11+$0x0], $0xffff  }
0x11c: {  	v15 =	vadd.s32 $0x4080, v21;
	v16 =	vadd.s32 $0x4000, v25;
	v7 =	vadd.s32 $0x4080, v20;
	[tilespmem:s23+$0xFFFFFE70] =	vst v22;
	v1 =	vld.idx.msk [tilespmem:v1+s11+$0x0], $0xffff  }
0x11d: {  	v27 =	vadd.s32 $0x4080, v23;
	v26 =	vadd.s32 $0x4080, v18;
	v22 =	vadd.s32 $0x4080, v19;
	v11 =	vld.idx.msk [tilespmem:v11+s11+$0x0], $0xffff;
	[tilespmem:s24+$0x190] =	vst v6  }
0x11e: {  	v29 =	vadd.s32 $0x4080, v24;
	v30 =	vadd.s32 $0x4080, v25;
	v28 =	vadd.s32 $0x4100, v20;
	[tilespmem:s24+$0x1A0] =	vst v5;
	v0 =	vld.idx.msk [tilespmem:v0+s11+$0x0], $0xffff  }
0x11f: {  	v31 =	vadd.s32 $0x4100, v21;
	v32 =	vadd.s32 $0x4100, v19;
	v6 =	vadd.s32 $0x4100, v4;
	v5 =	vld.idx.msk [tilespmem:v9+s11+$0x0], $0xffff  }
0x120: {  	v33 =	vadd.s32 $0x4100, v18;
	v34 =	vadd.s32 $0x4100, v23;
	v35 =	vadd.s32 $0x4100, v24;
	v9 =	vld.idx.msk [tilespmem:v10+s11+$0x0], $0xffff;
	[tilespmem:s24+$0x1B0] =	vst v3  }
0x121: {  	v37 =	vadd.s32 $0x4180, v21;
	v38 =	vadd.s32 $0x4100, v25;
	v36 =	vadd.s32 $0x4180, v20;
	v3 =	vld.idx.msk [tilespmem:v12+s11+$0x0], $0xffff;
	[tilespmem:s24+$0x1C0] =	vst v2  }
0x122: {  	v40 =	vadd.s32 $0x4180, v18;
	v39 =	vadd.s32 $0x4180, v19;
	v41 =	vadd.s32 $0x4180, v23;
	v2 =	vld.idx.msk [tilespmem:v8+s11+$0x0], $0xffff;
	[tilespmem:s24+$0x1D0] =	vst v1  }
0x123: {  	v43 =	vadd.s32 $0x4180, v24;
	v44 =	vadd.s32 $0x4180, v25;
	v42 =	vadd.s32 $0x4200, v20;
	v1 =	vld.idx.msk [tilespmem:v13+s11+$0x0], $0xffff;
	[tilespmem:s23+$0xFFFFFEF0] =	vst v11  }
0x124: {  	v45 =	vadd.s32 $0x4200, v21;
	v47 =	vadd.s32 $0x4200, v18;
	v46 =	vadd.s32 $0x4200, v19;
	v6 =	vld.idx.msk [tilespmem:v6+s11+$0x0], $0xffff;
	[tilespmem:s24+$0x1E0] =	vst v0;
	s24 =	smov.u32 s23  }
0x125: {  	v48 =	vadd.s32 $0x4200, v23;
	v49 =	vadd.s32 $0x4200, v24;
	v50 =	vadd.s32 $0x4200, v25;
	[tilespmem:s23+$0xFFFFFE00] =	vst v5;
	v0 =	vld.idx.msk [tilespmem:v14+s11+$0x0], $0xffff  }
0x126: {  	v53 =	vadd.s32 $0x4180, v4;
	v17 =	vadd.s32 $0x4280, v21;
	v51 =	vadd.s32 $0x4280, v20;
	[tilespmem:s23+$0xFFFFFE10] =	vst v9;
	v52 =	vld.idx.msk [tilespmem:v16+s11+$0x0], $0xffff  }
0x127: {  	v56 =	vadd.s32 $0x4280, v18;
	v55 =	vadd.s32 $0x4280, v19;
	v16 =	vadd.s32 $0x4280, v23;
	v54 =	vld.idx.msk [tilespmem:v7+s11+$0x0], $0xffff;
	[tilespmem:s23+$0xFFFFFE20] =	vst v3  }
0x128: {  	v58 =	vadd.s32 $0x4280, v24;
	v12 =	vadd.s32 $0x4300, v20;
	v57 =	vld.idx.msk [tilespmem:v15+s11+$0x0], $0xffff;
	[tilespmem:s23+$0xFFFFFE30] =	vst v2;
	v15 =	vadd.s32 $0x4280, v25  }
0x129: {  	v13 =	vadd.s32 $0x4300, v19;
	v11 =	vadd.s32 $0x4300, v18;
	v14 =	vadd.s32 $0x4300, v21;
	v22 =	vld.idx.msk [tilespmem:v22+s11+$0x0], $0xffff;
	[tilespmem:s23+$0xFFFFFE40] =	vst v1  }
0x12a: {  	v10 =	vadd.s32 $0x4300, v23;
	v8 =	vadd.s32 $0x4300, v25;
	v9 =	vadd.s32 $0x4300, v24;
	v26 =	vld.idx.msk [tilespmem:v26+s11+$0x0], $0xffff;
	[tilespmem:s23+$0xFFFFFF70] =	vst v6  }
0x12b: {  	v5 =	vadd.s32 $0x4380, v19;
	v7 =	vadd.s32 $0x4380, v20;
	v6 =	vadd.s32 $0x4380, v21;
	[tilespmem:s23+$0xFFFFFE50] =	vst v0;
	v19 =	vld.idx.msk [tilespmem:v53+s11+$0x0], $0xffff  }
0x12c: {  	v3 =	vadd.s32 $0x4380, v18;
	v2 =	vadd.s32 $0x4380, v23;
	v1 =	vadd.s32 $0x4380, v24;
	v18 =	vld.idx.msk [tilespmem:v27+s11+$0x0], $0xffff;
	[tilespmem:s23+$0xFFFFFE60] =	vst v52  }
0x12d: {  	v21 =	vadd.s32 $0x4200, v4;
	v0 =	vadd.s32 $0x4380, v25;
	[tilespmem:s23+$0xFFFFFE80] =	vst v54;
	v20 =	vld.idx.msk [tilespmem:v29+s11+$0x0], $0xffff  }
0x12e: {  	[tilespmem:s23+$0xFFFFFE90] =	vst v57;
	v23 =	vld.idx.msk [tilespmem:v30+s11+$0x0], $0xffff  }
0x12f: {  	v24 =	vld.idx.msk [tilespmem:v28+s11+$0x0], $0xffff;
	[tilespmem:s23+$0xFFFFFEA0] =	vst v22  }
0x130: {  	v22 =	vld.idx.msk [tilespmem:v31+s11+$0x0], $0xffff;
	[tilespmem:s23+$0xFFFFFEB0] =	vst v26  }
0x131: {  	v25 =	vld.idx.msk [tilespmem:v32+s11+$0x0], $0xffff;
	[tilespmem:s23+$0xFFFFFFF0] =	vst v19  }
0x132: {  	[tilespmem:s23+$0xFFFFFEC0] =	vst v18;
	v18 =	vld.idx.msk [tilespmem:v21+s11+$0x0], $0xffff  }
0x133: {  	v19 =	vld.idx.msk [tilespmem:v33+s11+$0x0], $0xffff;
	[tilespmem:s23+$0xFFFFFED0] =	vst v20  }
0x134: {  	v21 =	vadd.s32 $0x4280, v4;
	v20 =	vld.idx.msk [tilespmem:v34+s11+$0x0], $0xffff;
	[tilespmem:s23+$0xFFFFFEE0] =	vst v23  }
0x135: {  	[tilespmem:s23+$0xFFFFFF00] =	vst v24;
	v23 =	vld.idx.msk [tilespmem:v35+s11+$0x0], $0xffff  }
0x136: {  	[tilespmem:s23+$0xFFFFFF10] =	vst v22;
	v22 =	vld.idx.msk [tilespmem:v38+s11+$0x0], $0xffff  }
0x137: {  	v24 =	vld.idx.msk [tilespmem:v36+s11+$0x0], $0xffff;
	[tilespmem:s23+$0xFFFFFF20] =	vst v25  }
0x138: {  	v25 =	vld.idx.msk [tilespmem:v37+s11+$0x0], $0xffff;
	[tilespmem:s23+$0x70] =	vst v18  }
0x139: {  	[tilespmem:s23+$0xFFFFFF30] =	vst v19;
	v18 =	vld.idx.msk [tilespmem:v21+s11+$0x0], $0xffff  }
0x13a: {  	v19 =	vld.idx.msk [tilespmem:v39+s11+$0x0], $0xffff;
	[tilespmem:s23+$0xFFFFFF40] =	vst v20  }
0x13b: {  	v21 =	vadd.s32 $0x4300, v4;
	v20 =	vld.idx.msk [tilespmem:v40+s11+$0x0], $0xffff;
	[tilespmem:s23+$0xFFFFFF50] =	vst v23  }
0x13c: {  	v23 =	vld.idx.msk [tilespmem:v41+s11+$0x0], $0xffff;
	[tilespmem:s23+$0xFFFFFF60] =	vst v22  }
0x13d: {  	[tilespmem:s23+$0xFFFFFF80] =	vst v24;
	v22 =	vld.idx.msk [tilespmem:v43+s11+$0x0], $0xffff  }
0x13e: {  	[tilespmem:s23+$0xFFFFFF90] =	vst v25;
	v24 =	vld.idx.msk [tilespmem:v44+s11+$0x0], $0xffff  }
0x13f: {  	v25 =	vld.idx.msk [tilespmem:v42+s11+$0x0], $0xffff;
	[tilespmem:s23+$0xF0] =	vst v18  }
0x140: {  	[tilespmem:s23+$0xFFFFFFA0] =	vst v19;
	v18 =	vld.idx.msk [tilespmem:v21+s11+$0x0], $0xffff  }
0x141: {  	v19 =	vld.idx.msk [tilespmem:v45+s11+$0x0], $0xffff;
	[tilespmem:s23+$0xFFFFFFB0] =	vst v20  }
0x142: {  	v4 =	vadd.s32 $0x4380, v4;
	v20 =	vld.idx.msk [tilespmem:v46+s11+$0x0], $0xffff;
	[tilespmem:s23+$0xFFFFFFC0] =	vst v23  }
0x143: {  	v21 =	vld.idx.msk [tilespmem:v47+s11+$0x0], $0xffff;
	[tilespmem:s23+$0xFFFFFFD0] =	vst v22  }
0x144: {  	v22 =	vld.idx.msk [tilespmem:v48+s11+$0x0], $0xffff;
	[tilespmem:s23+$0xFFFFFFE0] =	vst v24  }
0x145: {  	[tilespmem:s23+$0x0] =	vst v25;
	v23 =	vld.idx.msk [tilespmem:v49+s11+$0x0], $0xffff  }
0x146: {  	v24 =	vld.idx.msk [tilespmem:v50+s11+$0x0], $0xffff;
	[tilespmem:s23+$0x170] =	vst v18  }
0x147: {  	[tilespmem:s23+$0x10] =	vst v19;
	v4 =	vld.idx.msk [tilespmem:v4+s11+$0x0], $0xffff  }
0x148: {  	v18 =	vld.idx.msk [tilespmem:v51+s11+$0x0], $0xffff;
	[tilespmem:s23+$0x20] =	vst v20  }
0x149: {  	v19 =	vld.idx.msk [tilespmem:v17+s11+$0x0], $0xffff;
	[tilespmem:s23+$0x30] =	vst v21  }
0x14a: {  	v20 =	vld.idx.msk [tilespmem:v55+s11+$0x0], $0xffff;
	[tilespmem:s23+$0x40] =	vst v22  }
0x14b: {  	v21 =	vld.idx.msk [tilespmem:v56+s11+$0x0], $0xffff;
	[tilespmem:s23+$0x50] =	vst v23  }
0x14c: {  	v16 =	vld.idx.msk [tilespmem:v16+s11+$0x0], $0xffff;
	[tilespmem:s23+$0x60] =	vst v24  }
.Ltmp3:
0x14d: {  	v17 =	vld.idx.msk [tilespmem:v58+s11+$0x0], $0xffff;
	[tilespmem:s23+$0x1F0] =	vst v4;
	(pc) =	sbr.rel @p0 .LBB2_5-.Ltmp3, $4  }
0x14e: {  	[tilespmem:s23+$0x80] =	vst v18;
	v15 =	vld.idx.msk [tilespmem:v15+s11+$0x0], $0xffff  }
0x14f: {  	v18 =	vld.idx.msk [tilespmem:v12+s11+$0x0], $0xffff;
	[tilespmem:s23+$0x90] =	vst v19  }
0x150: {  	v14 =	vld.idx.msk [tilespmem:v14+s11+$0x0], $0xffff;
	[tilespmem:s23+$0xA0] =	vst v20  }
0x151: {  	s26 =	sadd.s32 $0x80, s26;
	v4 =	vld.idx.msk [tilespmem:v13+s11+$0x0], $0xffff;
	[tilespmem:s23+$0xB0] =	vst v21  }
0x152: {  	_ =	sdelay $0x2  }
0x153: {  	[tilespmem:s23+$0xC0] =	vst v16  }
0x154: {  	[tilespmem:s23+$0xD0] =	vst v17;
	v11 =	vld.idx.msk [tilespmem:v11+s11+$0x0], $0xffff  }
0x155: {  	[tilespmem:s23+$0xE0] =	vst v15;
	v10 =	vld.idx.msk [tilespmem:v10+s11+$0x0], $0xffff  }
0x156: {  	v9 =	vld.idx.msk [tilespmem:v9+s11+$0x0], $0xffff;
	[tilespmem:s23+$0x100] =	vst v18  }
0x157: {  	v8 =	vld.idx.msk [tilespmem:v8+s11+$0x0], $0xffff;
	[tilespmem:s23+$0x110] =	vst v14  }
0x158: {  	[tilespmem:s23+$0x120] =	vst v4;
	v4 =	vld.idx.msk [tilespmem:v7+s11+$0x0], $0xffff  }
0x159: {  	v6 =	vld.idx.msk [tilespmem:v6+s11+$0x0], $0xffff;
	[tilespmem:s23+$0x130] =	vst v11  }
0x15a: {  	v5 =	vld.idx.msk [tilespmem:v5+s11+$0x0], $0xffff;
	[tilespmem:s23+$0x140] =	vst v10  }
0x15b: {  	[tilespmem:s23+$0x150] =	vst v9;
	v3 =	vld.idx.msk [tilespmem:v3+s11+$0x0], $0xffff  }
0x15c: {  	[tilespmem:s23+$0x160] =	vst v8;
	v2 =	vld.idx.msk [tilespmem:v2+s11+$0x0], $0xffff  }
0x15d: {  	v1 =	vld.idx.msk [tilespmem:v1+s11+$0x0], $0xffff;
	[tilespmem:s24+$0x180] =	vst v4  }
0x15e: {  	v0 =	vld.idx.msk [tilespmem:v0+s11+$0x0], $0xffff;
	[tilespmem:s24+$0x190] =	vst v6  }
0x15f: {  	[tilespmem:s24+$0x1A0] =	vst v5  }
0x160: {  	[tilespmem:s24+$0x1B0] =	vst v3  }
0x161: {  	[tilespmem:s24+$0x1C0] =	vst v2  }
0x162: {  	[tilespmem:s24+$0x1D0] =	vst v1  }
0x163: {  	s30 =	sadd.s32 s22, s8;
	p0 =	seq.s32 s21, $0xF;
	[tilespmem:s24+$0x1E0] =	vst v0  }
0x164: {  	[hbm4b:s30+s4] =	stream.linear.scatter [tilespmem:s16], [sflag:$0x4], $0x4000, $0x38;
	[tilespmem:$0x18800] =	vst v63  }
0x165: {  	s25 =	simm.s32 @!p0 $0x800;
	s23 =	sadd.s32 @!p0 s22, s9;
	s24 =	simm.s32 @!p0 $0x0  }
0x166: {  	[tilespmem:s25], [sflag:$0x1] =	stream.linear.gather @!p0 [hbm4b:s23+s24], $0x8000, $0x38;
	[tilespmem:$0x18800] =	vst v63  }
0x167: {  	_ =	swait.ge [sflag:s17], $0x8000  }
0x168: {  	[sflag:s17] =	ssyncset.done $0x0  }
0x169: {  	[sflag:s17] =	ssyncadd.s32 $0xFFFF8000  }
0x16a: {  	_ =	swait.ge [sflag:s18], $0x4000  }
0x16b: {  	[sflag:s18] =	ssyncset.done $0x0  }
0x16c: {  	s31 =	simm.s32 $0x40;
	[sflag:s18] =	ssyncadd.s32 $0xFFFFC000  }
0x16d: {  	v0 =	vld [tilespmem:s31+$0x30];
	_ =	sdelay $0x3  }
0x16e: {  	v1 =	vld [tilespmem:s31+$0xFFFFFFD0]  }
0x16f: {  	v2 =	vshll.u32 v0, $0x3  }
0x170: {  	v3 =	vld [tilespmem:s31+$0xFFFFFFE0];
	v0 =	vand.u32 $0x7F, v0;
	v2 =	vand.u32 $0xFFFFFC00, v2  }
0x171: {  	v5 =	vld [tilespmem:s31+$0xFFFFFFC0];
	v4 =	vor.u32 v0, v2;
	_ =	sdelay $0x1  }
0x172: {  	v2 =	vld [tilespmem:s31+$0xFFFFFFF0];
	v0 =	vshll.u32 v1, $0x3  }
0x173: {  	v7 =	vld [tilespmem:s31+$0x10];
	v1 =	vand.u32 $0x7F, v1;
	v8 =	vand.u32 $0xFFFFFC00, v0  }
0x174: {  	v6 =	vld [tilespmem:s31+$0x0];
	v0 =	vshll.u32 v3, $0x3;
	v1 =	vor.u32 v1, v8  }
0x175: {  	v11 =	vor.u32 $0x80, v4;
	v9 =	vand.u32 $0xFFFFFC00, v0;
	v0 =	vshll.u32 v5, $0x3;
	v10 =	vld.idx.msk [tilespmem:v4+s12+$0x0], $0xffff  }
0x176: {  	v12 =	vld [tilespmem:s31+$0x20];
	v3 =	vand.u32 $0x7F, v3;
	v5 =	vand.u32 $0x7F, v5;
	v0 =	vand.u32 $0xFFFFFC00, v0  }
0x177: {  	v0 =	vor.u32 v5, v0;
	v13 =	vshll.u32 v2, $0x3;
	v8 =	vand.u32 $0x7F, v2  }
0x178: {  	v2 =	vor.u32 v3, v9;
	v9 =	vshll.u32 v7, $0x3;
	v5 =	vand.u32 $0xFFFFFC00, v13  }
0x179: {  	s23 =	simm.s32 $0x10A00;
	v13 =	vshll.u32 v6, $0x3;
	v3 =	vor.u32 v8, v5;
	v5 =	vand.u32 $0xFFFFFC00, v9;
	v9 =	vld.idx.msk [tilespmem:v1+s12+$0x0], $0xffff  }
0x17a: {  	v15 =	vor.u32 $0x80, v1;
	v6 =	vand.u32 $0x7F, v6;
	v13 =	vand.u32 $0xFFFFFC00, v13;
	[tilespmem:s23+$0xFFFFFE70] =	vst v10  }
0x17b: {  	v7 =	vand.u32 $0x7F, v7;
	v8 =	vshll.u32 v12, $0x3;
	v10 =	vor.u32 v6, v13;
	v6 =	vld.idx.msk [tilespmem:v11+s12+$0x0], $0xffff  }
0x17c: {  	v11 =	vor.u32 v7, v5;
	v5 =	vld.idx.msk [tilespmem:v0+s12+$0x0], $0xffff;
	v7 =	vand.u32 $0xFFFFFC00, v8;
	v8 =	vand.u32 $0x7F, v12  }
0x17d: {  	v13 =	vor.u32 $0x100, v4;
	v12 =	vor.u32 v8, v7;
	v7 =	vld.idx.msk [tilespmem:v2+s12+$0x0], $0xffff  }
0x17e: {  	v8 =	vor.u32 $0x80, v0;
	v14 =	vld.idx.msk [tilespmem:v3+s12+$0x0], $0xffff;
	[tilespmem:s23+$0xFFFFFE10] =	vst v9  }
0x17f: {  	v15 =	vld.idx.msk [tilespmem:v15+s12+$0x0], $0xffff  }
0x180: {  	v17 =	vor.u32 $0x80, v2;
	v16 =	vld.idx.msk [tilespmem:v10+s12+$0x0], $0xffff  }
0x181: {  	v18 =	vld.idx.msk [tilespmem:v11+s12+$0x0], $0xffff;
	[tilespmem:s23+$0xFFFFFEF0] =	vst v6;
	v6 =	vor.u32 $0x80, v3  }
0x182: {  	[tilespmem:s23+$0xFFFFFE00] =	vst v5;
	v5 =	vld.idx.msk [tilespmem:v13+s12+$0x0], $0xffff;
	v13 =	vor.u32 $0x80, v10  }
0x183: {  	v19 =	vor.u32 $0x80, v11;
	v8 =	vld.idx.msk [tilespmem:v8+s12+$0x0], $0xffff;
	[tilespmem:s23+$0xFFFFFE20] =	vst v7  }
0x184: {  	v9 =	vld.idx.msk [tilespmem:v12+s12+$0x0], $0xffff;
	v7 =	vor.u32 $0x180, v4;
	[tilespmem:s23+$0xFFFFFE30] =	vst v14  }
0x185: {  	v14 =	vor.u32 $0x80, v12;
	v17 =	vld.idx.msk [tilespmem:v17+s12+$0x0], $0xffff;
	[tilespmem:s23+$0xFFFFFE40] =	vst v16  }
0x186: {  	v16 =	vor.u32 $0x100, v0;
	v6 =	vld.idx.msk [tilespmem:v6+s12+$0x0], $0xffff;
	[tilespmem:s23+$0xFFFFFE50] =	vst v18  }
0x187: {  	v18 =	vor.u32 $0x100, v1;
	v13 =	vld.idx.msk [tilespmem:v13+s12+$0x0], $0xffff;
	[tilespmem:s23+$0xFFFFFF70] =	vst v5  }
0x188: {  	v5 =	vor.u32 $0x100, v2;
	[tilespmem:s23+$0xFFFFFE80] =	vst v8;
	v8 =	vld.idx.msk [tilespmem:v19+s12+$0x0], $0xffff  }
0x189: {  	[tilespmem:s23+$0xFFFFFE60] =	vst v9;
	v9 =	vor.u32 $0x100, v3;
	v7 =	vld.idx.msk [tilespmem:v7+s12+$0x0], $0xffff  }
0x18a: {  	[tilespmem:s23+$0xFFFFFE90] =	vst v15;
	v19 =	vor.u32 $0x100, v10;
	v14 =	vld.idx.msk [tilespmem:v14+s12+$0x0], $0xffff  }
0x18b: {  	[tilespmem:s23+$0xFFFFFEA0] =	vst v17;
	v17 =	vor.u32 $0x100, v11;
	v16 =	vld.idx.msk [tilespmem:v16+s12+$0x0], $0xffff  }
0x18c: {  	v15 =	vor.u32 $0x200, v4;
	v18 =	vld.idx.msk [tilespmem:v18+s12+$0x0], $0xffff;
	[tilespmem:s23+$0xFFFFFEB0] =	vst v6  }
0x18d: {  	v6 =	vor.u32 $0x100, v12;
	v5 =	vld.idx.msk [tilespmem:v5+s12+$0x0], $0xffff;
	[tilespmem:s23+$0xFFFFFEC0] =	vst v13  }
0x18e: {  	v13 =	vor.u32 $0x180, v0;
	v9 =	vld.idx.msk [tilespmem:v9+s12+$0x0], $0xffff;
	[tilespmem:s23+$0xFFFFFED0] =	vst v8  }
0x18f: {  	[tilespmem:s23+$0xFFFFFFF0] =	vst v7;
	v7 =	vor.u32 $0x180, v1;
	v19 =	vld.idx.msk [tilespmem:v19+s12+$0x0], $0xffff  }
0x190: {  	[tilespmem:s23+$0xFFFFFEE0] =	vst v14;
	v14 =	vld.idx.msk [tilespmem:v17+s12+$0x0], $0xffff;
	v17 =	vor.u32 $0x180, v3  }
0x191: {  	v8 =	vld.idx.msk [tilespmem:v15+s12+$0x0], $0xffff;
	v15 =	vor.u32 $0x180, v2;
	[tilespmem:s23+$0xFFFFFF00] =	vst v16  }
0x192: {  	v16 =	vor.u32 $0x280, v4;
	[tilespmem:s23+$0xFFFFFF10] =	vst v18;
	v6 =	vld.idx.msk [tilespmem:v6+s12+$0x0], $0xffff  }
0x193: {  	v18 =	vor.u32 $0x180, v10;
	v13 =	vld.idx.msk [tilespmem:v13+s12+$0x0], $0xffff;
	[tilespmem:s23+$0xFFFFFF20] =	vst v5  }
0x194: {  	v5 =	vor.u32 $0x180, v11;
	[tilespmem:s23+$0xFFFFFF30] =	vst v9;
	v7 =	vld.idx.msk [tilespmem:v7+s12+$0x0], $0xffff  }
0x195: {  	v9 =	vor.u32 $0x180, v12;
	[tilespmem:s23+$0xFFFFFF40] =	vst v19;
	v17 =	vld.idx.msk [tilespmem:v17+s12+$0x0], $0xffff  }
0x196: {  	v15 =	vld.idx.msk [tilespmem:v15+s12+$0x0], $0xffff;
	[tilespmem:s23+$0x70] =	vst v8;
	v8 =	vor.u32 $0x200, v0  }
0x197: {  	v19 =	vor.u32 $0x200, v1;
	[tilespmem:s23+$0xFFFFFF50] =	vst v14;
	v16 =	vld.idx.msk [tilespmem:v16+s12+$0x0], $0xffff  }
0x198: {  	v14 =	vld.idx.msk [tilespmem:v18+s12+$0x0], $0xffff;
	[tilespmem:s23+$0xFFFFFF60] =	vst v6;
	v6 =	vor.u32 $0x300, v4  }
0x199: {  	v18 =	vor.u32 $0x200, v2;
	[tilespmem:s23+$0xFFFFFF80] =	vst v13;
	v5 =	vld.idx.msk [tilespmem:v5+s12+$0x0], $0xffff  }
0x19a: {  	v13 =	vor.u32 $0x200, v3;
	[tilespmem:s23+$0xFFFFFF90] =	vst v7;
	v7 =	vld.idx.msk [tilespmem:v9+s12+$0x0], $0xffff  }
0x19b: {  	v9 =	vor.u32 $0x200, v10;
	v8 =	vld.idx.msk [tilespmem:v8+s12+$0x0], $0xffff;
	[tilespmem:s23+$0xFFFFFFA0] =	vst v15  }
0x19c: {  	v15 =	vor.u32 $0x200, v11;
	v19 =	vld.idx.msk [tilespmem:v19+s12+$0x0], $0xffff;
	[tilespmem:s23+$0xF0] =	vst v16  }
0x19d: {  	[tilespmem:s23+$0xFFFFFFB0] =	vst v17;
	v16 =	vor.u32 $0x200, v12;
	v6 =	vld.idx.msk [tilespmem:v6+s12+$0x0], $0xffff  }
0x19e: {  	v17 =	vor.u32 $0x280, v0;
	v18 =	vld.idx.msk [tilespmem:v18+s12+$0x0], $0xffff;
	[tilespmem:s23+$0xFFFFFFC0] =	vst v14  }
0x19f: {  	v4 =	vor.u32 $0x380, v4;
	v13 =	vld.idx.msk [tilespmem:v13+s12+$0x0], $0xffff;
	[tilespmem:s23+$0xFFFFFFD0] =	vst v5  }
0x1a0: {  	v5 =	vor.u32 $0x280, v1;
	v9 =	vld.idx.msk [tilespmem:v9+s12+$0x0], $0xffff;
	[tilespmem:s23+$0xFFFFFFE0] =	vst v7  }
0x1a1: {  	v7 =	vor.u32 $0x280, v2;
	[tilespmem:s23+$0x0] =	vst v8;
	v8 =	vld.idx.msk [tilespmem:v15+s12+$0x0], $0xffff  }
0x1a2: {  	v14 =	vor.u32 $0x280, v3;
	[tilespmem:s23+$0x10] =	vst v19;
	v15 =	vld.idx.msk [tilespmem:v16+s12+$0x0], $0xffff  }
0x1a3: {  	v16 =	vor.u32 $0x280, v10;
	v17 =	vld.idx.msk [tilespmem:v17+s12+$0x0], $0xffff;
	[tilespmem:s23+$0x170] =	vst v6  }
0x1a4: {  	v6 =	vor.u32 $0x280, v11;
	[tilespmem:s23+$0x20] =	vst v18;
	v4 =	vld.idx.msk [tilespmem:v4+s12+$0x0], $0xffff  }
0x1a5: {  	v18 =	vor.u32 $0x280, v12;
	v5 =	vld.idx.msk [tilespmem:v5+s12+$0x0], $0xffff;
	[tilespmem:s23+$0x30] =	vst v13  }
0x1a6: {  	v13 =	vor.u32 $0x300, v0;
	v7 =	vld.idx.msk [tilespmem:v7+s12+$0x0], $0xffff;
	[tilespmem:s23+$0x40] =	vst v9  }
0x1a7: {  	v9 =	vor.u32 $0x300, v1;
	v19 =	vld.idx.msk [tilespmem:v14+s12+$0x0], $0xffff;
	[tilespmem:s23+$0x50] =	vst v8  }
0x1a8: {  	v20 =	vor.u32 $0x300, v2;
	v21 =	vld.idx.msk [tilespmem:v16+s12+$0x0], $0xffff;
	[tilespmem:s23+$0x60] =	vst v15  }
0x1a9: {  	v22 =	vor.u32 $0x300, v3;
	[tilespmem:s23+$0x80] =	vst v17;
	v17 =	vld.idx.msk [tilespmem:v6+s12+$0x0], $0xffff  }
0x1aa: {  	v23 =	vor.u32 $0x300, v10;
	v15 =	vld.idx.msk [tilespmem:v18+s12+$0x0], $0xffff;
	[tilespmem:s23+$0x1F0] =	vst v4  }
0x1ab: {  	v14 =	vld.idx.msk [tilespmem:v13+s12+$0x0], $0xffff;
	[tilespmem:s23+$0x90] =	vst v5  }
0x1ac: {  	v13 =	vld.idx.msk [tilespmem:v9+s12+$0x0], $0xffff;
	[tilespmem:s23+$0xA0] =	vst v7  }
0x1ad: {  	v8 =	vor.u32 $0x300, v11;
	v6 =	vor.u32 $0x380, v1;
	v1 =	vor.u32 $0x380, v11;
	[tilespmem:s23+$0xB0] =	vst v19;
	v16 =	vld.idx.msk [tilespmem:v20+s12+$0x0], $0xffff  }
0x1ae: {  	v5 =	vor.u32 $0x380, v2;
	v4 =	vor.u32 $0x380, v3;
	v2 =	vor.u32 $0x380, v10;
	v3 =	vld.idx.msk [tilespmem:v22+s12+$0x0], $0xffff;
	[tilespmem:s23+$0xC0] =	vst v21  }
0x1af: {  	s26 =	simm.s32 $0xC0;
	s25 =	simm.s32 $0x0;
	s24 =	simm.s32 $0x10A00;
	v7 =	vor.u32 $0x380, v0;
	v9 =	vor.u32 $0x300, v12;
	v0 =	vor.u32 $0x380, v12;
	v10 =	vld.idx.msk [tilespmem:v23+s12+$0x0], $0xffff;
	[tilespmem:s23+$0xD0] =	vst v17  }
.LBB2_7:
0x1b0: {  	v11 =	vld [tilespmem:s26+$0x30];
	s25 =	sadd.s32 $0x8, s25;
	[tilespmem:s23+$0xE0] =	vst v15  }
0x1b1: {  	v12 =	vld [tilespmem:s26+$0xFFFFFFD0];
	p1 =	slt.u32 s25, $0x78;
	[tilespmem:s23+$0x100] =	vst v14  }
0x1b2: {  	v14 =	vld [tilespmem:s26+$0xFFFFFFE0];
	[tilespmem:s23+$0x110] =	vst v13  }
0x1b3: {  	v13 =	vld [tilespmem:s26+$0xFFFFFFF0];
	[tilespmem:s23+$0x120] =	vst v16  }
0x1b4: {  	v15 =	vld [tilespmem:s26+$0x0];
	[tilespmem:s23+$0x130] =	vst v3  }
0x1b5: {  	v16 =	vld [tilespmem:s26+$0x10];
	v3 =	vshll.u32 v11, $0x3;
	[tilespmem:s23+$0x140] =	vst v10  }
0x1b6: {  	v11 =	vand.u32 $0x7F, v11;
	v10 =	vshll.u32 v12, $0x3;
	v17 =	vld [tilespmem:s26+$0x20];
	v3 =	vand.u32 $0xFFFFFC00, v3  }
0x1b7: {  	v18 =	vld [tilespmem:s26+$0xFFFFFFC0];
	v10 =	vand.u32 $0xFFFFFC00, v10;
	v19 =	vshll.u32 v14, $0x3;
	v3 =	vor.u32 v11, v3  }
0x1b8: {  	v11 =	vand.u32 $0x7F, v12;
	v12 =	vand.u32 $0xFFFFFC00, v19;
	v19 =	vshll.u32 v13, $0x3;
	v8 =	vld.idx.msk [tilespmem:v8+s12+$0x0], $0xffff  }
0x1b9: {  	v14 =	vand.u32 $0x7F, v14;
	v19 =	vand.u32 $0xFFFFFC00, v19;
	v20 =	vshll.u32 v15, $0x3;
	v9 =	vld.idx.msk [tilespmem:v9+s12+$0x0], $0xffff  }
0x1ba: {  	v13 =	vand.u32 $0x7F, v13;
	v20 =	vand.u32 $0xFFFFFC00, v20;
	v21 =	vshll.u32 v16, $0x3;
	v7 =	vld.idx.msk [tilespmem:v7+s12+$0x0], $0xffff  }
0x1bb: {  	v15 =	vand.u32 $0x7F, v15;
	v21 =	vand.u32 $0xFFFFFC00, v21;
	v22 =	vshll.u32 v17, $0x3;
	v6 =	vld.idx.msk [tilespmem:v6+s12+$0x0], $0xffff  }
0x1bc: {  	v23 =	vand.u32 $0x7F, v18;
	v18 =	vshll.u32 v18, $0x3;
	v22 =	vand.u32 $0xFFFFFC00, v22;
	v24 =	vld.idx.msk [tilespmem:v3+s12+$0x0], $0xffff  }
0x1bd: {  	v16 =	vand.u32 $0x7F, v16;
	v17 =	vand.u32 $0x7F, v17;
	v18 =	vand.u32 $0xFFFFFC00, v18;
	v5 =	vld.idx.msk [tilespmem:v5+s12+$0x0], $0xffff  }
0x1be: {  	v25 =	vor.u32 v11, v10;
	v10 =	vor.u32 $0x80, v3;
	v23 =	vor.u32 v23, v18;
	v4 =	vld.idx.msk [tilespmem:v4+s12+$0x0], $0xffff;
	[tilespmem:s23+$0x150] =	vst v8  }
0x1bf: {  	v26 =	vor.u32 v14, v12;
	v27 =	vor.u32 v13, v19;
	v28 =	vor.u32 v15, v20;
	[tilespmem:s23+$0x160] =	vst v9  }
0x1c0: {  	v21 =	vor.u32 v16, v21;
	v22 =	vor.u32 v17, v22;
	v8 =	vor.u32 $0x80, v23;
	[tilespmem:s23+$0x180] =	vst v7;
	v2 =	vld.idx.msk [tilespmem:v2+s12+$0x0], $0xffff  }
0x1c1: {  	v29 =	vor.u32 $0x80, v27;
	v9 =	vor.u32 $0x80, v26;
	v7 =	vor.u32 $0x80, v25;
	s23 =	sadd.s32 $0x400, s23;
	[tilespmem:s24+$0x190] =	vst v6;
	v1 =	vld.idx.msk [tilespmem:v1+s12+$0x0], $0xffff  }
0x1c2: {  	v30 =	vor.u32 $0x80, v28;
	v31 =	vor.u32 $0x80, v21;
	v32 =	vor.u32 $0x80, v22;
	[tilespmem:s23+$0xFFFFFE70] =	vst v24;
	v0 =	vld.idx.msk [tilespmem:v0+s12+$0x0], $0xffff  }
0x1c3: {  	v33 =	vor.u32 $0x100, v25;
	v34 =	vor.u32 $0x100, v26;
	v24 =	vor.u32 $0x100, v23;
	v6 =	vld.idx.msk [tilespmem:v10+s12+$0x0], $0xffff;
	[tilespmem:s24+$0x1A0] =	vst v5  }
0x1c4: {  	v35 =	vor.u32 $0x100, v27;
	v36 =	vor.u32 $0x100, v28;
	v37 =	vor.u32 $0x100, v21;
	v5 =	vld.idx.msk [tilespmem:v23+s12+$0x0], $0xffff;
	[tilespmem:s24+$0x1B0] =	vst v4  }
0x1c5: {  	v39 =	vor.u32 $0x100, v22;
	v38 =	vor.u32 $0x180, v23;
	v10 =	vor.u32 $0x100, v3;
	v4 =	vld.idx.msk [tilespmem:v25+s12+$0x0], $0xffff  }
0x1c6: {  	v40 =	vor.u32 $0x180, v25;
	v41 =	vor.u32 $0x180, v26;
	v42 =	vor.u32 $0x180, v27;
	v11 =	vld.idx.msk [tilespmem:v26+s12+$0x0], $0xffff;
	[tilespmem:s24+$0x1C0] =	vst v2  }
0x1c7: {  	v43 =	vor.u32 $0x180, v28;
	v44 =	vor.u32 $0x180, v21;
	v45 =	vor.u32 $0x180, v22;
	v2 =	vld.idx.msk [tilespmem:v27+s12+$0x0], $0xffff;
	[tilespmem:s24+$0x1D0] =	vst v1  }
0x1c8: {  	v47 =	vor.u32 $0x200, v25;
	v48 =	vor.u32 $0x200, v26;
	v46 =	vor.u32 $0x200, v23;
	v1 =	vld.idx.msk [tilespmem:v28+s12+$0x0], $0xffff;
	[tilespmem:s24+$0x1E0] =	vst v0;
	s24 =	smov.u32 s23  }
0x1c9: {  	v49 =	vor.u32 $0x200, v27;
	v50 =	vor.u32 $0x200, v28;
	v51 =	vor.u32 $0x200, v21;
	v0 =	vld.idx.msk [tilespmem:v21+s12+$0x0], $0xffff;
	[tilespmem:s23+$0xFFFFFEF0] =	vst v6  }
0x1ca: {  	v18 =	vor.u32 $0x280, v25;
	v53 =	vor.u32 $0x200, v22;
	v52 =	vor.u32 $0x280, v23;
	[tilespmem:s23+$0xFFFFFE00] =	vst v5;
	v54 =	vld.idx.msk [tilespmem:v10+s12+$0x0], $0xffff  }
0x1cb: {  	v20 =	vor.u32 $0x280, v26;
	v19 =	vor.u32 $0x280, v27;
	v15 =	vor.u32 $0x280, v28;
	[tilespmem:s23+$0xFFFFFE10] =	vst v4;
	v55 =	vld.idx.msk [tilespmem:v22+s12+$0x0], $0xffff  }
0x1cc: {  	v57 =	vor.u32 $0x180, v3;
	v17 =	vor.u32 $0x280, v21;
	v16 =	vor.u32 $0x280, v22;
	v56 =	vld.idx.msk [tilespmem:v8+s12+$0x0], $0xffff;
	[tilespmem:s23+$0xFFFFFE20] =	vst v11  }
0x1cd: {  	v13 =	vor.u32 $0x300, v25;
	v14 =	vor.u32 $0x300, v23;
	v10 =	vor.u32 $0x300, v26;
	v58 =	vld.idx.msk [tilespmem:v7+s12+$0x0], $0xffff;
	[tilespmem:s23+$0xFFFFFE30] =	vst v2  }
0x1ce: {  	v12 =	vor.u32 $0x300, v27;
	v11 =	vor.u32 $0x300, v28;
	v8 =	vor.u32 $0x300, v21;
	v59 =	vld.idx.msk [tilespmem:v9+s12+$0x0], $0xffff;
	[tilespmem:s23+$0xFFFFFE40] =	vst v1  }
0x1cf: {  	v6 =	vor.u32 $0x380, v25;
	v7 =	vor.u32 $0x380, v23;
	v9 =	vor.u32 $0x300, v22;
	v23 =	vld.idx.msk [tilespmem:v29+s12+$0x0], $0xffff;
	[tilespmem:s23+$0xFFFFFE50] =	vst v0  }
0x1d0: {  	v5 =	vor.u32 $0x380, v26;
	v4 =	vor.u32 $0x380, v27;
	v2 =	vor.u32 $0x380, v28;
	v25 =	vld.idx.msk [tilespmem:v30+s12+$0x0], $0xffff;
	[tilespmem:s23+$0xFFFFFF70] =	vst v54  }
0x1d1: {  	v1 =	vor.u32 $0x380, v21;
	v0 =	vor.u32 $0x380, v22;
	[tilespmem:s23+$0xFFFFFE60] =	vst v55;
	v21 =	vld.idx.msk [tilespmem:v57+s12+$0x0], $0xffff  }
0x1d2: {  	[tilespmem:s23+$0xFFFFFE80] =	vst v56;
	v22 =	vld.idx.msk [tilespmem:v31+s12+$0x0], $0xffff  }
0x1d3: {  	v27 =	vor.u32 $0x200, v3;
	[tilespmem:s23+$0xFFFFFE90] =	vst v58;
	v26 =	vld.idx.msk [tilespmem:v32+s12+$0x0], $0xffff  }
0x1d4: {  	v24 =	vld.idx.msk [tilespmem:v24+s12+$0x0], $0xffff;
	[tilespmem:s23+$0xFFFFFEA0] =	vst v59  }
0x1d5: {  	v28 =	vld.idx.msk [tilespmem:v33+s12+$0x0], $0xffff;
	[tilespmem:s23+$0xFFFFFEB0] =	vst v23  }
0x1d6: {  	v23 =	vld.idx.msk [tilespmem:v34+s12+$0x0], $0xffff;
	[tilespmem:s23+$0xFFFFFEC0] =	vst v25  }
0x1d7: {  	v25 =	vld.idx.msk [tilespmem:v35+s12+$0x0], $0xffff;
	[tilespmem:s23+$0xFFFFFFF0] =	vst v21  }
0x1d8: {  	[tilespmem:s23+$0xFFFFFED0] =	vst v22;
	v21 =	vld.idx.msk [tilespmem:v27+s12+$0x0], $0xffff  }
0x1d9: {  	v22 =	vld.idx.msk [tilespmem:v36+s12+$0x0], $0xffff;
	[tilespmem:s23+$0xFFFFFEE0] =	vst v26  }
0x1da: {  	v26 =	vor.u32 $0x280, v3;
	[tilespmem:s23+$0xFFFFFF00] =	vst v24;
	v24 =	vld.idx.msk [tilespmem:v37+s12+$0x0], $0xffff  }
0x1db: {  	[tilespmem:s23+$0xFFFFFF10] =	vst v28;
	v27 =	vld.idx.msk [tilespmem:v39+s12+$0x0], $0xffff  }
0x1dc: {  	v28 =	vld.idx.msk [tilespmem:v38+s12+$0x0], $0xffff;
	[tilespmem:s23+$0xFFFFFF20] =	vst v23  }
0x1dd: {  	v23 =	vld.idx.msk [tilespmem:v40+s12+$0x0], $0xffff;
	[tilespmem:s23+$0xFFFFFF30] =	vst v25  }
0x1de: {  	v25 =	vld.idx.msk [tilespmem:v41+s12+$0x0], $0xffff;
	[tilespmem:s23+$0x70] =	vst v21  }
0x1df: {  	[tilespmem:s23+$0xFFFFFF40] =	vst v22;
	v21 =	vld.idx.msk [tilespmem:v26+s12+$0x0], $0xffff  }
0x1e0: {  	v22 =	vld.idx.msk [tilespmem:v42+s12+$0x0], $0xffff;
	[tilespmem:s23+$0xFFFFFF50] =	vst v24  }
0x1e1: {  	v26 =	vor.u32 $0x300, v3;
	v24 =	vld.idx.msk [tilespmem:v43+s12+$0x0], $0xffff;
	[tilespmem:s23+$0xFFFFFF60] =	vst v27  }
0x1e2: {  	[tilespmem:s23+$0xFFFFFF80] =	vst v28;
	v27 =	vld.idx.msk [tilespmem:v44+s12+$0x0], $0xffff  }
0x1e3: {  	[tilespmem:s23+$0xFFFFFF90] =	vst v23;
	v23 =	vld.idx.msk [tilespmem:v45+s12+$0x0], $0xffff  }
0x1e4: {  	v28 =	vld.idx.msk [tilespmem:v46+s12+$0x0], $0xffff;
	[tilespmem:s23+$0xFFFFFFA0] =	vst v25  }
0x1e5: {  	v25 =	vld.idx.msk [tilespmem:v47+s12+$0x0], $0xffff;
	[tilespmem:s23+$0xF0] =	vst v21  }
0x1e6: {  	[tilespmem:s23+$0xFFFFFFB0] =	vst v22;
	v21 =	vld.idx.msk [tilespmem:v26+s12+$0x0], $0xffff  }
0x1e7: {  	v22 =	vld.idx.msk [tilespmem:v48+s12+$0x0], $0xffff;
	[tilespmem:s23+$0xFFFFFFC0] =	vst v24  }
0x1e8: {  	v3 =	vor.u32 $0x380, v3;
	v24 =	vld.idx.msk [tilespmem:v49+s12+$0x0], $0xffff;
	[tilespmem:s23+$0xFFFFFFD0] =	vst v27  }
0x1e9: {  	v26 =	vld.idx.msk [tilespmem:v50+s12+$0x0], $0xffff;
	[tilespmem:s23+$0xFFFFFFE0] =	vst v23  }
0x1ea: {  	[tilespmem:s23+$0x0] =	vst v28;
	v23 =	vld.idx.msk [tilespmem:v51+s12+$0x0], $0xffff  }
0x1eb: {  	[tilespmem:s23+$0x10] =	vst v25;
	v25 =	vld.idx.msk [tilespmem:v53+s12+$0x0], $0xffff  }
0x1ec: {  	v27 =	vld.idx.msk [tilespmem:v52+s12+$0x0], $0xffff;
	[tilespmem:s23+$0x170] =	vst v21  }
0x1ed: {  	[tilespmem:s23+$0x20] =	vst v22;
	v3 =	vld.idx.msk [tilespmem:v3+s12+$0x0], $0xffff  }
0x1ee: {  	v18 =	vld.idx.msk [tilespmem:v18+s12+$0x0], $0xffff;
	[tilespmem:s23+$0x30] =	vst v24  }
0x1ef: {  	v20 =	vld.idx.msk [tilespmem:v20+s12+$0x0], $0xffff;
	[tilespmem:s23+$0x40] =	vst v26  }
0x1f0: {  	v19 =	vld.idx.msk [tilespmem:v19+s12+$0x0], $0xffff;
	[tilespmem:s23+$0x50] =	vst v23  }
0x1f1: {  	v21 =	vld.idx.msk [tilespmem:v15+s12+$0x0], $0xffff;
	[tilespmem:s23+$0x60] =	vst v25  }
0x1f2: {  	[tilespmem:s23+$0x80] =	vst v27;
	v17 =	vld.idx.msk [tilespmem:v17+s12+$0x0], $0xffff  }
0x1f3: {  	v15 =	vld.idx.msk [tilespmem:v16+s12+$0x0], $0xffff;
	[tilespmem:s23+$0x1F0] =	vst v3  }
.Ltmp4:
0x1f4: {  	v14 =	vld.idx.msk [tilespmem:v14+s12+$0x0], $0xffff;
	[tilespmem:s23+$0x90] =	vst v18;
	(pc) =	sbr.rel @p1 .LBB2_7-.Ltmp4, $4  }
0x1f5: {  	v13 =	vld.idx.msk [tilespmem:v13+s12+$0x0], $0xffff;
	[tilespmem:s23+$0xA0] =	vst v20  }
0x1f6: {  	v16 =	vld.idx.msk [tilespmem:v10+s12+$0x0], $0xffff;
	[tilespmem:s23+$0xB0] =	vst v19  }
0x1f7: {  	v3 =	vld.idx.msk [tilespmem:v12+s12+$0x0], $0xffff;
	[tilespmem:s23+$0xC0] =	vst v21  }
0x1f8: {  	s26 =	sadd.s32 $0x80, s26;
	v10 =	vld.idx.msk [tilespmem:v11+s12+$0x0], $0xffff;
	[tilespmem:s23+$0xD0] =	vst v17  }
0x1f9: {  	_ =	sdelay $0x2  }
0x1fa: {  	[tilespmem:s23+$0xE0] =	vst v15  }
0x1fb: {  	[tilespmem:s23+$0x100] =	vst v14;
	v8 =	vld.idx.msk [tilespmem:v8+s12+$0x0], $0xffff  }
0x1fc: {  	[tilespmem:s23+$0x110] =	vst v13;
	v9 =	vld.idx.msk [tilespmem:v9+s12+$0x0], $0xffff  }
0x1fd: {  	v7 =	vld.idx.msk [tilespmem:v7+s12+$0x0], $0xffff;
	[tilespmem:s23+$0x120] =	vst v16  }
0x1fe: {  	[tilespmem:s23+$0x130] =	vst v3;
	v3 =	vld.idx.msk [tilespmem:v6+s12+$0x0], $0xffff  }
0x1ff: {  	v5 =	vld.idx.msk [tilespmem:v5+s12+$0x0], $0xffff;
	[tilespmem:s23+$0x140] =	vst v10  }
0x200: {  	v4 =	vld.idx.msk [tilespmem:v4+s12+$0x0], $0xffff;
	[tilespmem:s23+$0x150] =	vst v8  }
0x201: {  	v2 =	vld.idx.msk [tilespmem:v2+s12+$0x0], $0xffff;
	[tilespmem:s23+$0x160] =	vst v9  }
0x202: {  	[tilespmem:s23+$0x180] =	vst v7;
	v1 =	vld.idx.msk [tilespmem:v1+s12+$0x0], $0xffff  }
0x203: {  	v0 =	vld.idx.msk [tilespmem:v0+s12+$0x0], $0xffff;
	[tilespmem:s24+$0x190] =	vst v3  }
0x204: {  	[tilespmem:s24+$0x1A0] =	vst v5  }
0x205: {  	[tilespmem:s24+$0x1B0] =	vst v4  }
0x206: {  	[tilespmem:s24+$0x1C0] =	vst v2  }
0x207: {  	s22 =	sor.u32 $0x1000, s22;
	[tilespmem:s24+$0x1D0] =	vst v1  }
0x208: {  	s30 =	sadd.s32 s3, s22;
	[tilespmem:s24+$0x1E0] =	vst v0  }
0x209: {  	[hbm4b:s30+s4] =	stream.linear.scatter [tilespmem:s15], [sflag:$0x3], $0x4000, $0x38;
	[tilespmem:$0x18800] =	vst v63  }
0x20a: {  	_ =	swait.ge [sflag:s19], $0x4000  }
0x20b: {  	[sflag:s19] =	ssyncset.done $0x0  }
0x20c: {  	s31 =	simm.s32 $0x40;
	[sflag:s19] =	ssyncadd.s32 $0xFFFFC000  }
0x20d: {  	v0 =	vld [tilespmem:s31+$0x30];
	_ =	sdelay $0x1  }
0x20e: {  	v2 =	vld [tilespmem:s31+$0xFFFFFFE0]  }
0x20f: {  	v3 =	vld [tilespmem:s31+$0xFFFFFFF0]  }
0x210: {  	v6 =	vld [tilespmem:s31+$0x0]  }
0x211: {  	v7 =	vld [tilespmem:s31+$0xFFFFFFC0];
	v4 =	vshll.u32 v0, $0x3  }
0x212: {  	v8 =	vld [tilespmem:s31+$0x10];
	v0 =	vand.u32 $0x7F, v0;
	v4 =	vand.u32 $0xFFFFFC00, v4  }
0x213: {  	v5 =	vor.u32 v0, v4  }
0x214: {  	v1 =	vld [tilespmem:s31+$0xFFFFFFD0];
	v0 =	vadd.s32 $0x4000, v5  }
0x215: {  	v9 =	vshll.u32 v2, $0x3;
	v10 =	vshll.u32 v3, $0x3;
	v12 =	vshll.u32 v6, $0x3  }
0x216: {  	v2 =	vand.u32 $0x7F, v2;
	v13 =	vshll.u32 v7, $0x3;
	v7 =	vand.u32 $0x7F, v7  }
0x217: {  	v15 =	vshll.u32 v8, $0x3;
	v3 =	vand.u32 $0x7F, v3;
	v8 =	vand.u32 $0x7F, v8  }
0x218: {  	v11 =	vld [tilespmem:s31+$0x20];
	v9 =	vand.u32 $0xFFFFFC00, v9;
	v10 =	vand.u32 $0xFFFFFC00, v10;
	v12 =	vand.u32 $0xFFFFFC00, v12  }
0x219: {  	v13 =	vand.u32 $0xFFFFFC00, v13;
	v15 =	vand.u32 $0xFFFFFC00, v15;
	v4 =	vshll.u32 v1, $0x3;
	v14 =	vld.idx.msk [tilespmem:v0+s12+$0x0], $0xffff  }
0x21a: {  	v1 =	vand.u32 $0x7F, v1;
	v0 =	vor.u32 v7, v13;
	v7 =	vadd.s32 $0x4080, v5  }
0x21b: {  	v3 =	vor.u32 v3, v10;
	v4 =	vand.u32 $0xFFFFFC00, v4;
	v13 =	vadd.s32 $0x4000, v0  }
0x21c: {  	v2 =	vor.u32 v2, v9;
	v16 =	vadd.s32 $0x4000, v3;
	v1 =	vor.u32 v1, v4  }
0x21d: {  	s23 =	simm.s32 $0x14A00;
	v10 =	vshll.u32 v11, $0x3;
	v4 =	vand.u32 $0x7F, v6;
	v9 =	vadd.s32 $0x4000, v1  }
0x21e: {  	v11 =	vand.u32 $0x7F, v11;
	v6 =	vadd.s32 $0x4000, v2;
	v4 =	vor.u32 v4, v12;
	[tilespmem:s23+$0xFFFFFE70] =	vst v14  }
0x21f: {  	v10 =	vand.u32 $0xFFFFFC00, v10;
	v12 =	vor.u32 v8, v15;
	v14 =	vadd.s32 $0x4000, v4;
	v7 =	vld.idx.msk [tilespmem:v7+s12+$0x0], $0xffff  }
0x220: {  	v8 =	vld.idx.msk [tilespmem:v13+s12+$0x0], $0xffff;
	v13 =	vor.u32 v11, v10;
	v10 =	vadd.s32 $0x4000, v12  }
0x221: {  	v15 =	vadd.s32 $0x4100, v5;
	v16 =	vld.idx.msk [tilespmem:v16+s12+$0x0], $0xffff  }
0x222: {  	v9 =	vld.idx.msk [tilespmem:v9+s12+$0x0], $0xffff;
	v11 =	vadd.s32 $0x4000, v13  }
0x223: {  	v6 =	vld.idx.msk [tilespmem:v6+s12+$0x0], $0xffff;
	v17 =	vadd.s32 $0x4080, v0  }
0x224: {  	v19 =	vadd.s32 $0x4080, v3;
	v14 =	vld.idx.msk [tilespmem:v14+s12+$0x0], $0xffff;
	[tilespmem:s23+$0xFFFFFEF0] =	vst v7  }
0x225: {  	v18 =	vadd.s32 $0x4080, v1;
	[tilespmem:s23+$0xFFFFFE00] =	vst v8;
	v8 =	vld.idx.msk [tilespmem:v10+s12+$0x0], $0xffff  }
0x226: {  	[tilespmem:s23+$0xFFFFFE30] =	vst v16;
	v7 =	vadd.s32 $0x4080, v2;
	v15 =	vld.idx.msk [tilespmem:v15+s12+$0x0], $0xffff  }
0x227: {  	[tilespmem:s23+$0xFFFFFE10] =	vst v9;
	v9 =	vld.idx.msk [tilespmem:v11+s12+$0x0], $0xffff;
	v11 =	vadd.s32 $0x4080, v4  }
0x228: {  	[tilespmem:s23+$0xFFFFFE20] =	vst v6;
	v6 =	vadd.s32 $0x4080, v12;
	v17 =	vld.idx.msk [tilespmem:v17+s12+$0x0], $0xffff  }
0x229: {  	v19 =	vld.idx.msk [tilespmem:v19+s12+$0x0], $0xffff;
	v10 =	vadd.s32 $0x4180, v5  }
0x22a: {  	v16 =	vadd.s32 $0x4080, v13;
	v18 =	vld.idx.msk [tilespmem:v18+s12+$0x0], $0xffff;
	[tilespmem:s23+$0xFFFFFE40] =	vst v14  }
0x22b: {  	v14 =	vadd.s32 $0x4100, v0;
	v7 =	vld.idx.msk [tilespmem:v7+s12+$0x0], $0xffff;
	[tilespmem:s23+$0xFFFFFE50] =	vst v8  }
0x22c: {  	[tilespmem:s23+$0xFFFFFF70] =	vst v15;
	v15 =	vadd.s32 $0x4100, v1;
	v11 =	vld.idx.msk [tilespmem:v11+s12+$0x0], $0xffff  }
0x22d: {  	[tilespmem:s23+$0xFFFFFE80] =	vst v17;
	v6 =	vld.idx.msk [tilespmem:v6+s12+$0x0], $0xffff;
	v17 =	vadd.s32 $0x4100, v3  }
0x22e: {  	[tilespmem:s23+$0xFFFFFE60] =	vst v9;
	v8 =	vld.idx.msk [tilespmem:v10+s12+$0x0], $0xffff;
	v10 =	vadd.s32 $0x4100, v2  }
0x22f: {  	[tilespmem:s23+$0xFFFFFE90] =	vst v18;
	v18 =	vadd.s32 $0x4100, v4;
	v16 =	vld.idx.msk [tilespmem:v16+s12+$0x0], $0xffff  }
0x230: {  	[tilespmem:s23+$0xFFFFFEB0] =	vst v19;
	v9 =	vadd.s32 $0x4200, v5;
	v14 =	vld.idx.msk [tilespmem:v14+s12+$0x0], $0xffff  }
0x231: {  	[tilespmem:s23+$0xFFFFFEA0] =	vst v7;
	v7 =	vadd.s32 $0x4100, v12;
	v15 =	vld.idx.msk [tilespmem:v15+s12+$0x0], $0xffff  }
0x232: {  	v19 =	vadd.s32 $0x4100, v13;
	[tilespmem:s23+$0xFFFFFEC0] =	vst v11;
	v17 =	vld.idx.msk [tilespmem:v17+s12+$0x0], $0xffff  }
0x233: {  	v10 =	vld.idx.msk [tilespmem:v10+s12+$0x0], $0xffff;
	[tilespmem:s23+$0xFFFFFFF0] =	vst v8;
	v8 =	vadd.s32 $0x4180, v0  }
0x234: {  	v11 =	vadd.s32 $0x4180, v1;
	[tilespmem:s23+$0xFFFFFED0] =	vst v6;
	v6 =	vld.idx.msk [tilespmem:v18+s12+$0x0], $0xffff  }
0x235: {  	[tilespmem:s23+$0xFFFFFEE0] =	vst v16;
	v18 =	vadd.s32 $0x4180, v2;
	v9 =	vld.idx.msk [tilespmem:v9+s12+$0x0], $0xffff  }
0x236: {  	v16 =	vadd.s32 $0x4280, v5;
	[tilespmem:s23+$0xFFFFFF00] =	vst v14;
	v7 =	vld.idx.msk [tilespmem:v7+s12+$0x0], $0xffff  }
0x237: {  	v14 =	vadd.s32 $0x4180, v3;
	[tilespmem:s23+$0xFFFFFF10] =	vst v15;
	v15 =	vld.idx.msk [tilespmem:v19+s12+$0x0], $0xffff  }
0x238: {  	v19 =	vadd.s32 $0x4180, v4;
	[tilespmem:s23+$0xFFFFFF30] =	vst v17;
	v8 =	vld.idx.msk [tilespmem:v8+s12+$0x0], $0xffff  }
0x239: {  	[tilespmem:s23+$0xFFFFFF20] =	vst v10;
	v10 =	vadd.s32 $0x4180, v12;
	v11 =	vld.idx.msk [tilespmem:v11+s12+$0x0], $0xffff  }
0x23a: {  	[tilespmem:s23+$0x70] =	vst v9;
	v9 =	vadd.s32 $0x4180, v13;
	v18 =	vld.idx.msk [tilespmem:v18+s12+$0x0], $0xffff  }
0x23b: {  	v17 =	vadd.s32 $0x4200, v0;
	[tilespmem:s23+$0xFFFFFF40] =	vst v6;
	v16 =	vld.idx.msk [tilespmem:v16+s12+$0x0], $0xffff  }
0x23c: {  	v6 =	vld.idx.msk [tilespmem:v14+s12+$0x0], $0xffff;
	v14 =	vadd.s32 $0x4200, v1;
	[tilespmem:s23+$0xFFFFFF50] =	vst v7  }
0x23d: {  	v7 =	vadd.s32 $0x4300, v5;
	v19 =	vld.idx.msk [tilespmem:v19+s12+$0x0], $0xffff;
	[tilespmem:s23+$0xFFFFFF60] =	vst v15  }
0x23e: {  	v15 =	vadd.s32 $0x4200, v2;
	[tilespmem:s23+$0xFFFFFF80] =	vst v8;
	v8 =	vld.idx.msk [tilespmem:v10+s12+$0x0], $0xffff  }
0x23f: {  	v10 =	vadd.s32 $0x4200, v3;
	[tilespmem:s23+$0xFFFFFF90] =	vst v11;
	v9 =	vld.idx.msk [tilespmem:v9+s12+$0x0], $0xffff  }
0x240: {  	v11 =	vadd.s32 $0x4200, v4;
	v17 =	vld.idx.msk [tilespmem:v17+s12+$0x0], $0xffff;
	[tilespmem:s23+$0xFFFFFFA0] =	vst v18  }
0x241: {  	[tilespmem:s23+$0xF0] =	vst v16;
	v16 =	vadd.s32 $0x4200, v12;
	v14 =	vld.idx.msk [tilespmem:v14+s12+$0x0], $0xffff  }
0x242: {  	v18 =	vadd.s32 $0x4200, v13;
	[tilespmem:s23+$0xFFFFFFB0] =	vst v6;
	v7 =	vld.idx.msk [tilespmem:v7+s12+$0x0], $0xffff  }
0x243: {  	v5 =	vadd.s32 $0x4380, v5;
	v6 =	vld.idx.msk [tilespmem:v15+s12+$0x0], $0xffff;
	[tilespmem:s23+$0xFFFFFFC0] =	vst v19  }
0x244: {  	v15 =	vadd.s32 $0x4280, v0;
	v10 =	vld.idx.msk [tilespmem:v10+s12+$0x0], $0xffff;
	[tilespmem:s23+$0xFFFFFFD0] =	vst v8  }
0x245: {  	v8 =	vadd.s32 $0x4280, v1;
	v11 =	vld.idx.msk [tilespmem:v11+s12+$0x0], $0xffff;
	[tilespmem:s23+$0xFFFFFFE0] =	vst v9  }
0x246: {  	v9 =	vadd.s32 $0x4280, v2;
	[tilespmem:s23+$0x0] =	vst v17;
	v16 =	vld.idx.msk [tilespmem:v16+s12+$0x0], $0xffff  }
0x247: {  	v17 =	vadd.s32 $0x4280, v3;
	v18 =	vld.idx.msk [tilespmem:v18+s12+$0x0], $0xffff;
	[tilespmem:s23+$0x170] =	vst v7  }
0x248: {  	[tilespmem:s23+$0x10] =	vst v14;
	v7 =	vadd.s32 $0x4280, v4;
	v5 =	vld.idx.msk [tilespmem:v5+s12+$0x0], $0xffff  }
0x249: {  	v14 =	vadd.s32 $0x4280, v12;
	v15 =	vld.idx.msk [tilespmem:v15+s12+$0x0], $0xffff;
	[tilespmem:s23+$0x20] =	vst v6  }
0x24a: {  	v6 =	vadd.s32 $0x4280, v13;
	v19 =	vld.idx.msk [tilespmem:v8+s12+$0x0], $0xffff;
	[tilespmem:s23+$0x30] =	vst v10  }
0x24b: {  	v20 =	vadd.s32 $0x4300, v0;
	[tilespmem:s23+$0x40] =	vst v11;
	v21 =	vld.idx.msk [tilespmem:v9+s12+$0x0], $0xffff  }
0x24c: {  	v22 =	vadd.s32 $0x4300, v1;
	v23 =	vld.idx.msk [tilespmem:v17+s12+$0x0], $0xffff;
	[tilespmem:s23+$0x50] =	vst v16  }
0x24d: {  	v24 =	vadd.s32 $0x4300, v2;
	[tilespmem:s23+$0x60] =	vst v18;
	v16 =	vld.idx.msk [tilespmem:v7+s12+$0x0], $0xffff  }
0x24e: {  	v17 =	vld.idx.msk [tilespmem:v14+s12+$0x0], $0xffff;
	[tilespmem:s23+$0x1F0] =	vst v5  }
0x24f: {  	v11 =	vadd.s32 $0x4300, v3;
	v10 =	vadd.s32 $0x4300, v4;
	[tilespmem:s23+$0x80] =	vst v15;
	v15 =	vld.idx.msk [tilespmem:v6+s12+$0x0], $0xffff  }
0x250: {  	v8 =	vadd.s32 $0x4300, v13;
	v3 =	vadd.s32 $0x4380, v3;
	v9 =	vadd.s32 $0x4300, v12;
	v18 =	vld.idx.msk [tilespmem:v20+s12+$0x0], $0xffff;
	[tilespmem:s23+$0x90] =	vst v19  }
0x251: {  	v7 =	vadd.s32 $0x4380, v0;
	v0 =	vadd.s32 $0x4380, v13;
	v6 =	vadd.s32 $0x4380, v1;
	v14 =	vld.idx.msk [tilespmem:v22+s12+$0x0], $0xffff;
	[tilespmem:s23+$0xA0] =	vst v21  }
0x252: {  	s25 =	simm.s32 $0x0;
	s26 =	simm.s32 $0xC0;
	s24 =	simm.s32 $0x14A00;
	v5 =	vadd.s32 $0x4380, v2;
	v2 =	vadd.s32 $0x4380, v4;
	v1 =	vadd.s32 $0x4380, v12;
	[tilespmem:s23+$0xB0] =	vst v23;
	v4 =	vld.idx.msk [tilespmem:v24+s12+$0x0], $0xffff  }
.LBB2_9:
0x253: {  	v12 =	vld [tilespmem:s26+$0x30];
	s25 =	sadd.s32 $0x8, s25;
	[tilespmem:s23+$0xC0] =	vst v16  }
0x254: {  	v13 =	vld [tilespmem:s26+$0xFFFFFFD0];
	p1 =	slt.u32 s25, $0x78;
	[tilespmem:s23+$0xD0] =	vst v17  }
0x255: {  	v16 =	vld [tilespmem:s26+$0xFFFFFFE0];
	[tilespmem:s23+$0xE0] =	vst v15  }
0x256: {  	v15 =	vld [tilespmem:s26+$0xFFFFFFF0];
	[tilespmem:s23+$0x100] =	vst v18  }
0x257: {  	v17 =	vld [tilespmem:s26+$0x0];
	[tilespmem:s23+$0x110] =	vst v14  }
0x258: {  	v14 =	vld [tilespmem:s26+$0x10];
	v18 =	vshll.u32 v12, $0x3;
	[tilespmem:s23+$0x120] =	vst v4  }
0x259: {  	v12 =	vand.u32 $0x7F, v12;
	v4 =	vshll.u32 v13, $0x3;
	v19 =	vld [tilespmem:s26+$0x20];
	v18 =	vand.u32 $0xFFFFFC00, v18  }
0x25a: {  	v20 =	vld [tilespmem:s26+$0xFFFFFFC0];
	v21 =	vand.u32 $0xFFFFFC00, v4;
	v22 =	vshll.u32 v16, $0x3;
	v4 =	vor.u32 v12, v18  }
0x25b: {  	v12 =	vand.u32 $0xFFFFFC00, v22;
	v18 =	vshll.u32 v15, $0x3;
	v22 =	vadd.s32 $0x4000, v4;
	v11 =	vld.idx.msk [tilespmem:v11+s12+$0x0], $0xffff  }
0x25c: {  	v13 =	vand.u32 $0x7F, v13;
	v18 =	vand.u32 $0xFFFFFC00, v18;
	v23 =	vshll.u32 v17, $0x3;
	v10 =	vld.idx.msk [tilespmem:v10+s12+$0x0], $0xffff  }
0x25d: {  	v16 =	vand.u32 $0x7F, v16;
	v23 =	vand.u32 $0xFFFFFC00, v23;
	v24 =	vshll.u32 v14, $0x3;
	v9 =	vld.idx.msk [tilespmem:v9+s12+$0x0], $0xffff  }
0x25e: {  	v15 =	vand.u32 $0x7F, v15;
	v24 =	vand.u32 $0xFFFFFC00, v24;
	v25 =	vshll.u32 v19, $0x3;
	v8 =	vld.idx.msk [tilespmem:v8+s12+$0x0], $0xffff  }
0x25f: {  	v26 =	vand.u32 $0x7F, v20;
	v20 =	vshll.u32 v20, $0x3;
	v25 =	vand.u32 $0xFFFFFC00, v25;
	v7 =	vld.idx.msk [tilespmem:v7+s12+$0x0], $0xffff  }
0x260: {  	v17 =	vand.u32 $0x7F, v17;
	v14 =	vand.u32 $0x7F, v14;
	v20 =	vand.u32 $0xFFFFFC00, v20;
	v22 =	vld.idx.msk [tilespmem:v22+s12+$0x0], $0xffff  }
0x261: {  	v21 =	vor.u32 v13, v21;
	v13 =	vand.u32 $0x7F, v19;
	v20 =	vor.u32 v26, v20;
	v6 =	vld.idx.msk [tilespmem:v6+s12+$0x0], $0xffff;
	[tilespmem:s23+$0x130] =	vst v11  }
0x262: {  	v18 =	vor.u32 v15, v18;
	v19 =	vor.u32 v16, v12;
	v11 =	vadd.s32 $0x4080, v4;
	v5 =	vld.idx.msk [tilespmem:v5+s12+$0x0], $0xffff;
	[tilespmem:s23+$0x140] =	vst v10  }
0x263: {  	v23 =	vor.u32 v17, v23;
	v24 =	vor.u32 v14, v24;
	v25 =	vor.u32 v13, v25;
	[tilespmem:s23+$0x150] =	vst v9  }
0x264: {  	v12 =	vadd.s32 $0x4000, v19;
	v10 =	vadd.s32 $0x4000, v21;
	v9 =	vadd.s32 $0x4000, v20;
	v3 =	vld.idx.msk [tilespmem:v3+s12+$0x0], $0xffff;
	[tilespmem:s23+$0x160] =	vst v8  }
0x265: {  	v13 =	vadd.s32 $0x4000, v23;
	v14 =	vadd.s32 $0x4000, v24;
	v8 =	vadd.s32 $0x4000, v18;
	s23 =	sadd.s32 $0x400, s23;
	[tilespmem:s24+$0x180] =	vst v7;
	v2 =	vld.idx.msk [tilespmem:v2+s12+$0x0], $0xffff  }
0x266: {  	v15 =	vadd.s32 $0x4080, v21;
	v16 =	vadd.s32 $0x4000, v25;
	v7 =	vadd.s32 $0x4080, v20;
	[tilespmem:s23+$0xFFFFFE70] =	vst v22;
	v1 =	vld.idx.msk [tilespmem:v1+s12+$0x0], $0xffff  }
0x267: {  	v27 =	vadd.s32 $0x4080, v23;
	v26 =	vadd.s32 $0x4080, v18;
	v22 =	vadd.s32 $0x4080, v19;
	v11 =	vld.idx.msk [tilespmem:v11+s12+$0x0], $0xffff;
	[tilespmem:s24+$0x190] =	vst v6  }
0x268: {  	v29 =	vadd.s32 $0x4080, v24;
	v30 =	vadd.s32 $0x4080, v25;
	v28 =	vadd.s32 $0x4100, v20;
	[tilespmem:s24+$0x1A0] =	vst v5;
	v0 =	vld.idx.msk [tilespmem:v0+s12+$0x0], $0xffff  }
0x269: {  	v31 =	vadd.s32 $0x4100, v21;
	v32 =	vadd.s32 $0x4100, v19;
	v6 =	vadd.s32 $0x4100, v4;
	v5 =	vld.idx.msk [tilespmem:v9+s12+$0x0], $0xffff  }
0x26a: {  	v33 =	vadd.s32 $0x4100, v18;
	v34 =	vadd.s32 $0x4100, v23;
	v35 =	vadd.s32 $0x4100, v24;
	v9 =	vld.idx.msk [tilespmem:v10+s12+$0x0], $0xffff;
	[tilespmem:s24+$0x1B0] =	vst v3  }
0x26b: {  	v37 =	vadd.s32 $0x4180, v21;
	v38 =	vadd.s32 $0x4100, v25;
	v36 =	vadd.s32 $0x4180, v20;
	v3 =	vld.idx.msk [tilespmem:v12+s12+$0x0], $0xffff;
	[tilespmem:s24+$0x1C0] =	vst v2  }
0x26c: {  	v40 =	vadd.s32 $0x4180, v18;
	v39 =	vadd.s32 $0x4180, v19;
	v41 =	vadd.s32 $0x4180, v23;
	v2 =	vld.idx.msk [tilespmem:v8+s12+$0x0], $0xffff;
	[tilespmem:s24+$0x1D0] =	vst v1  }
0x26d: {  	v43 =	vadd.s32 $0x4180, v24;
	v44 =	vadd.s32 $0x4180, v25;
	v42 =	vadd.s32 $0x4200, v20;
	v1 =	vld.idx.msk [tilespmem:v13+s12+$0x0], $0xffff;
	[tilespmem:s23+$0xFFFFFEF0] =	vst v11  }
0x26e: {  	v45 =	vadd.s32 $0x4200, v21;
	v47 =	vadd.s32 $0x4200, v18;
	v46 =	vadd.s32 $0x4200, v19;
	v6 =	vld.idx.msk [tilespmem:v6+s12+$0x0], $0xffff;
	[tilespmem:s24+$0x1E0] =	vst v0;
	s24 =	smov.u32 s23  }
0x26f: {  	v48 =	vadd.s32 $0x4200, v23;
	v49 =	vadd.s32 $0x4200, v24;
	v50 =	vadd.s32 $0x4200, v25;
	[tilespmem:s23+$0xFFFFFE00] =	vst v5;
	v0 =	vld.idx.msk [tilespmem:v14+s12+$0x0], $0xffff  }
0x270: {  	v53 =	vadd.s32 $0x4180, v4;
	v17 =	vadd.s32 $0x4280, v21;
	v51 =	vadd.s32 $0x4280, v20;
	[tilespmem:s23+$0xFFFFFE10] =	vst v9;
	v52 =	vld.idx.msk [tilespmem:v16+s12+$0x0], $0xffff  }
0x271: {  	v56 =	vadd.s32 $0x4280, v18;
	v55 =	vadd.s32 $0x4280, v19;
	v16 =	vadd.s32 $0x4280, v23;
	v54 =	vld.idx.msk [tilespmem:v7+s12+$0x0], $0xffff;
	[tilespmem:s23+$0xFFFFFE20] =	vst v3  }
0x272: {  	v58 =	vadd.s32 $0x4280, v24;
	v12 =	vadd.s32 $0x4300, v20;
	v57 =	vld.idx.msk [tilespmem:v15+s12+$0x0], $0xffff;
	[tilespmem:s23+$0xFFFFFE30] =	vst v2;
	v15 =	vadd.s32 $0x4280, v25  }
0x273: {  	v13 =	vadd.s32 $0x4300, v19;
	v11 =	vadd.s32 $0x4300, v18;
	v14 =	vadd.s32 $0x4300, v21;
	v22 =	vld.idx.msk [tilespmem:v22+s12+$0x0], $0xffff;
	[tilespmem:s23+$0xFFFFFE40] =	vst v1  }
0x274: {  	v10 =	vadd.s32 $0x4300, v23;
	v8 =	vadd.s32 $0x4300, v25;
	v9 =	vadd.s32 $0x4300, v24;
	v26 =	vld.idx.msk [tilespmem:v26+s12+$0x0], $0xffff;
	[tilespmem:s23+$0xFFFFFF70] =	vst v6  }
0x275: {  	v5 =	vadd.s32 $0x4380, v19;
	v7 =	vadd.s32 $0x4380, v20;
	v6 =	vadd.s32 $0x4380, v21;
	[tilespmem:s23+$0xFFFFFE50] =	vst v0;
	v19 =	vld.idx.msk [tilespmem:v53+s12+$0x0], $0xffff  }
0x276: {  	v3 =	vadd.s32 $0x4380, v18;
	v2 =	vadd.s32 $0x4380, v23;
	v1 =	vadd.s32 $0x4380, v24;
	v18 =	vld.idx.msk [tilespmem:v27+s12+$0x0], $0xffff;
	[tilespmem:s23+$0xFFFFFE60] =	vst v52  }
0x277: {  	v21 =	vadd.s32 $0x4200, v4;
	v0 =	vadd.s32 $0x4380, v25;
	[tilespmem:s23+$0xFFFFFE80] =	vst v54;
	v20 =	vld.idx.msk [tilespmem:v29+s12+$0x0], $0xffff  }
0x278: {  	[tilespmem:s23+$0xFFFFFE90] =	vst v57;
	v23 =	vld.idx.msk [tilespmem:v30+s12+$0x0], $0xffff  }
0x279: {  	v24 =	vld.idx.msk [tilespmem:v28+s12+$0x0], $0xffff;
	[tilespmem:s23+$0xFFFFFEA0] =	vst v22  }
0x27a: {  	v22 =	vld.idx.msk [tilespmem:v31+s12+$0x0], $0xffff;
	[tilespmem:s23+$0xFFFFFEB0] =	vst v26  }
0x27b: {  	v25 =	vld.idx.msk [tilespmem:v32+s12+$0x0], $0xffff;
	[tilespmem:s23+$0xFFFFFFF0] =	vst v19  }
0x27c: {  	[tilespmem:s23+$0xFFFFFEC0] =	vst v18;
	v18 =	vld.idx.msk [tilespmem:v21+s12+$0x0], $0xffff  }
0x27d: {  	v19 =	vld.idx.msk [tilespmem:v33+s12+$0x0], $0xffff;
	[tilespmem:s23+$0xFFFFFED0] =	vst v20  }
0x27e: {  	v21 =	vadd.s32 $0x4280, v4;
	v20 =	vld.idx.msk [tilespmem:v34+s12+$0x0], $0xffff;
	[tilespmem:s23+$0xFFFFFEE0] =	vst v23  }
0x27f: {  	[tilespmem:s23+$0xFFFFFF00] =	vst v24;
	v23 =	vld.idx.msk [tilespmem:v35+s12+$0x0], $0xffff  }
0x280: {  	[tilespmem:s23+$0xFFFFFF10] =	vst v22;
	v22 =	vld.idx.msk [tilespmem:v38+s12+$0x0], $0xffff  }
0x281: {  	v24 =	vld.idx.msk [tilespmem:v36+s12+$0x0], $0xffff;
	[tilespmem:s23+$0xFFFFFF20] =	vst v25  }
0x282: {  	v25 =	vld.idx.msk [tilespmem:v37+s12+$0x0], $0xffff;
	[tilespmem:s23+$0x70] =	vst v18  }
0x283: {  	[tilespmem:s23+$0xFFFFFF30] =	vst v19;
	v18 =	vld.idx.msk [tilespmem:v21+s12+$0x0], $0xffff  }
0x284: {  	v19 =	vld.idx.msk [tilespmem:v39+s12+$0x0], $0xffff;
	[tilespmem:s23+$0xFFFFFF40] =	vst v20  }
0x285: {  	v21 =	vadd.s32 $0x4300, v4;
	v20 =	vld.idx.msk [tilespmem:v40+s12+$0x0], $0xffff;
	[tilespmem:s23+$0xFFFFFF50] =	vst v23  }
0x286: {  	v23 =	vld.idx.msk [tilespmem:v41+s12+$0x0], $0xffff;
	[tilespmem:s23+$0xFFFFFF60] =	vst v22  }
0x287: {  	[tilespmem:s23+$0xFFFFFF80] =	vst v24;
	v22 =	vld.idx.msk [tilespmem:v43+s12+$0x0], $0xffff  }
0x288: {  	[tilespmem:s23+$0xFFFFFF90] =	vst v25;
	v24 =	vld.idx.msk [tilespmem:v44+s12+$0x0], $0xffff  }
0x289: {  	v25 =	vld.idx.msk [tilespmem:v42+s12+$0x0], $0xffff;
	[tilespmem:s23+$0xF0] =	vst v18  }
0x28a: {  	[tilespmem:s23+$0xFFFFFFA0] =	vst v19;
	v18 =	vld.idx.msk [tilespmem:v21+s12+$0x0], $0xffff  }
0x28b: {  	v19 =	vld.idx.msk [tilespmem:v45+s12+$0x0], $0xffff;
	[tilespmem:s23+$0xFFFFFFB0] =	vst v20  }
0x28c: {  	v4 =	vadd.s32 $0x4380, v4;
	v20 =	vld.idx.msk [tilespmem:v46+s12+$0x0], $0xffff;
	[tilespmem:s23+$0xFFFFFFC0] =	vst v23  }
0x28d: {  	v21 =	vld.idx.msk [tilespmem:v47+s12+$0x0], $0xffff;
	[tilespmem:s23+$0xFFFFFFD0] =	vst v22  }
0x28e: {  	v22 =	vld.idx.msk [tilespmem:v48+s12+$0x0], $0xffff;
	[tilespmem:s23+$0xFFFFFFE0] =	vst v24  }
0x28f: {  	[tilespmem:s23+$0x0] =	vst v25;
	v23 =	vld.idx.msk [tilespmem:v49+s12+$0x0], $0xffff  }
0x290: {  	v24 =	vld.idx.msk [tilespmem:v50+s12+$0x0], $0xffff;
	[tilespmem:s23+$0x170] =	vst v18  }
0x291: {  	[tilespmem:s23+$0x10] =	vst v19;
	v4 =	vld.idx.msk [tilespmem:v4+s12+$0x0], $0xffff  }
0x292: {  	v18 =	vld.idx.msk [tilespmem:v51+s12+$0x0], $0xffff;
	[tilespmem:s23+$0x20] =	vst v20  }
0x293: {  	v19 =	vld.idx.msk [tilespmem:v17+s12+$0x0], $0xffff;
	[tilespmem:s23+$0x30] =	vst v21  }
0x294: {  	v20 =	vld.idx.msk [tilespmem:v55+s12+$0x0], $0xffff;
	[tilespmem:s23+$0x40] =	vst v22  }
0x295: {  	v21 =	vld.idx.msk [tilespmem:v56+s12+$0x0], $0xffff;
	[tilespmem:s23+$0x50] =	vst v23  }
0x296: {  	v16 =	vld.idx.msk [tilespmem:v16+s12+$0x0], $0xffff;
	[tilespmem:s23+$0x60] =	vst v24  }
.Ltmp5:
0x297: {  	v17 =	vld.idx.msk [tilespmem:v58+s12+$0x0], $0xffff;
	[tilespmem:s23+$0x1F0] =	vst v4;
	(pc) =	sbr.rel @p1 .LBB2_9-.Ltmp5, $4  }
0x298: {  	[tilespmem:s23+$0x80] =	vst v18;
	v15 =	vld.idx.msk [tilespmem:v15+s12+$0x0], $0xffff  }
0x299: {  	v18 =	vld.idx.msk [tilespmem:v12+s12+$0x0], $0xffff;
	[tilespmem:s23+$0x90] =	vst v19  }
0x29a: {  	v14 =	vld.idx.msk [tilespmem:v14+s12+$0x0], $0xffff;
	[tilespmem:s23+$0xA0] =	vst v20  }
0x29b: {  	s26 =	sadd.s32 $0x80, s26;
	v4 =	vld.idx.msk [tilespmem:v13+s12+$0x0], $0xffff;
	[tilespmem:s23+$0xB0] =	vst v21  }
0x29c: {  	_ =	sdelay $0x2  }
0x29d: {  	[tilespmem:s23+$0xC0] =	vst v16  }
0x29e: {  	[tilespmem:s23+$0xD0] =	vst v17;
	v11 =	vld.idx.msk [tilespmem:v11+s12+$0x0], $0xffff  }
0x29f: {  	[tilespmem:s23+$0xE0] =	vst v15;
	v10 =	vld.idx.msk [tilespmem:v10+s12+$0x0], $0xffff  }
0x2a0: {  	v9 =	vld.idx.msk [tilespmem:v9+s12+$0x0], $0xffff;
	[tilespmem:s23+$0x100] =	vst v18  }
0x2a1: {  	v8 =	vld.idx.msk [tilespmem:v8+s12+$0x0], $0xffff;
	[tilespmem:s23+$0x110] =	vst v14  }
0x2a2: {  	v63 =	vld.idx.msk [tilespmem:v7+s12+$0x0], $0xffff;
	[tilespmem:s23+$0x120] =	vst v4  }
0x2a3: {  	v6 =	vld.idx.msk [tilespmem:v6+s12+$0x0], $0xffff;
	[tilespmem:s23+$0x130] =	vst v11  }
0x2a4: {  	v5 =	vld.idx.msk [tilespmem:v5+s12+$0x0], $0xffff;
	[tilespmem:s23+$0x140] =	vst v10  }
0x2a5: {  	[tilespmem:s23+$0x150] =	vst v9;
	v3 =	vld.idx.msk [tilespmem:v3+s12+$0x0], $0xffff  }
0x2a6: {  	[tilespmem:s23+$0x160] =	vst v8;
	v2 =	vld.idx.msk [tilespmem:v2+s12+$0x0], $0xffff  }
0x2a7: {  	v1 =	vld.idx.msk [tilespmem:v1+s12+$0x0], $0xffff;
	[tilespmem:s24+$0x180] =	vst v63  }
0x2a8: {  	v0 =	vld.idx.msk [tilespmem:v0+s12+$0x0], $0xffff;
	[tilespmem:s24+$0x190] =	vst v6  }
0x2a9: {  	[tilespmem:s24+$0x1A0] =	vst v5  }
.Ltmp6:
0x2aa: {  	[tilespmem:s24+$0x1B0] =	vst v3;
	(pc) =	sbr.rel @p0 .LBB2_12-.Ltmp6, $4  }
0x2ab: {  	[tilespmem:s24+$0x1C0] =	vst v2  }
0x2ac: {  	[tilespmem:s24+$0x1D0] =	vst v1  }
0x2ad: {  	s31 =	sadd.s32 s22, s8;
	[tilespmem:s24+$0x1E0] =	vst v0  }
0x2ae: {  	[hbm4b:s31+s4] =	stream.linear.scatter [tilespmem:s16], [sflag:$0x4], $0x4000, $0x38;
	[tilespmem:$0x18800] =	vst v63  }
.Ltmp7:
0x2af: {  	(pc) =	sbr.rel .LBB2_2-.Ltmp7, $3  }
0x2b0: {  	_ =	sdelay $0x1  }
0x2b1: {  	s22 =	sadd.s32 s22, s9;
	s21 =	sadd.s32 $0x1, s21  }
0x2b2: {  	[tilespmem:s12], [sflag:$0x2] =	stream.linear.gather [hbm4b:s22+s4], $0x8000, $0x38;
	[tilespmem:$0x18800] =	vst v63  }
.LBB2_13:
0x2b3: {  	_ =	sfence.sel $0x180000  }
0x2b4: {  	[bflag:$0x0] =	sbarrier.arrive $0xFFFF  }
0x2b5: {  	p0 =	sne.s32 s1, $0x0;
	_ =	strace $0x90000047  }
0x2b6: {  	s0 =	sadd.s32 @!p0 $0x100000, s0;
	[bflag:$0x2] =	sbarrier.arrive $0xFFFF  }
0x2b7: {  	[sflag:s0] =	ssyncadd.tile.s32 @!p0 $0x1;
	_ =	shalt  }
.Lfunc_end2:
_tile_overlayer_lowered:
.L_overlay_start_2:
0x2b8: {  	(tag) =	ssettag $0x2  }
0x2b9: {  	s0 =	rddreg [dreg:$0x0];
	s2 =	stileid.u32  }
0x2ba: {  	s1 =	rddreg [dreg:$0x1];
	p0 =	sne.s32 s2, $0x0  }
0x2bb: {  	s3 =	rddreg [dreg:$0x2];
	[bflag:$0x3] =	sbarrier.arrive $0xFFFF;
	s2 =	simm.s32 @!p0 $0x1C06  }
0x2bc: {  	[timem:s3], [sflag:s2] =	dma.local @!p0 [hbm:s0], s1  }
0x2bd: {  	s0 =	simm.s32 @!p0 $0x6  }
0x2be: {  	_ =	swait.ge @!p0 [sflag:s0], s1  }
0x2bf: {  	s1 =	ssub.s32 @!p0 $0x0, s1;
	[sflag:s0] =	ssyncset.done @!p0 $0x0  }
0x2c0: {  	[sflag:s0] =	ssyncadd.s32 @!p0 s1  }
0x2c1: {  	[bflag:$0x3] =	sbarrier.arrive $0xFFFF  }
0x2c2: {  	_ =	shalt  }

</sc_bundles>
